<compile_context>
chip_gen: v7x
topology: tpu7x:2x2x1
jax: 0.10.2.dev20260603
libtpu: 0.0.44.dev20260713+nightly
codegen_flags: <defaults>
</compile_context>

<pallas_src>
import dataclasses
import functools

import jax
import jax.numpy as jnp
from jax import lax
from jax.experimental import pallas as pl
from jax.experimental.pallas import tpu as pltpu
from jax.experimental.pallas import tpu_sc as plsc

N_NODES = 10000
N_EDGES = 320000
D = 128

NC = 2
NS = 16
NW = NC * NS
LANES = 16
CH = 64
NB = 4
NCH = 160
S = 32
NST = NCH // S
EPT = NCH * CH
EPAD = NW * EPT
N_ACC = 10112
STRIPE = N_ACC // NS


def _scale_rows(buf, w_v, off):
    @pl.loop(0, CH)
    def _(r):
        iv = jnp.full((LANES,), 0, jnp.int32) + (off + r)
        wv = plsc.load_gather(w_v, [iv])
        for k in range(D // LANES):
            sl = pl.ds(k * LANES, LANES)
            buf[r, sl] = buf[r, sl] * wv


def _hist_update(hist, dst_v, off):
    ones = jnp.ones((LANES,), jnp.float32)
    for k in range(CH // LANES):
        idx = dst_v[pl.ds(off + k * LANES, LANES)]
        plsc.addupdate_scatter(hist, [idx], ones)


WSZ = S * CH
G_FULL = N_EDGES // WSZ
G_TAIL = NW * NST - G_FULL


def _sc_body(x_hbm, srcs_hbm, dsts_hbm, ws_hbm,
             srct_hbm, dstt_hbm, wt_hbm, psum_hbm, cnt_hbm,
             src_v, dst_v, w_v, buf0, buf1, buf2, buf3, hist, acc_sh,
             sem_g0, sem_g1, sem_g2, sem_g3,
             sem_s0, sem_s1, sem_s2, sem_s3):
    bufs = (buf0, buf1, buf2, buf3)
    sems_g = (sem_g0, sem_g1, sem_g2, sem_g3)
    sems_s = (sem_s0, sem_s1, sem_s2, sem_s3)

    c = lax.axis_index("c")
    s = lax.axis_index("s")
    wid = c * NS + s

    zeros16 = jnp.zeros((LANES,), jnp.float32)

    base = s * STRIPE
    with jax.named_scope("sc_init"):
        @pl.loop(0, N_ACC, step=LANES)
        def _(i):
            hist[pl.ds(i, LANES)] = zeros16

        @pl.loop(0, CH)
        def _(r):
            for k in range(D // LANES):
                buf0[r, pl.ds(k * LANES, LANES)] = zeros16
        for k in range(STRIPE // CH):
            pltpu.sync_copy(buf0, acc_sh.at[pl.ds(base + k * CH, CH)])
        rem = STRIPE % CH
        pltpu.sync_copy(buf0.at[pl.ds(0, rem)],
                        acc_sh.at[pl.ds(base + STRIPE - rem, rem)])

    with jax.named_scope("sc_barrier0"):
        plsc.subcore_barrier()

    def phase(j, buf, sem_g, sem_s):
        off = j * CH
        gidx = src_v.at[pl.ds(off, CH)]
        sidx = dst_v.at[pl.ds(off, CH)]
        pltpu.make_async_copy(x_hbm.at[gidx], buf, sem_g).wait()
        _scale_rows(buf, w_v, off)
        pltpu.async_copy(buf, acc_sh.at[sidx], sem_s, add=True)
        _hist_update(hist, dst_v, off)
        pltpu.make_async_copy(buf, acc_sh.at[sidx], sem_s).wait()

        @pl.when(j + NB < S)
        def _():
            pltpu.async_copy(
                x_hbm.at[src_v.at[pl.ds((j + NB) * CH, CH)]], buf, sem_g)

    @pl.loop(0, NST)
    def _(st):
        with jax.named_scope("sc_stage"):
            g = wid * NST + st

            @pl.when(g < G_FULL)
            def _():
                off = g * WSZ
                pltpu.sync_copy(srcs_hbm.at[pl.ds(off, WSZ)], src_v)
                pltpu.sync_copy(dsts_hbm.at[pl.ds(off, WSZ)], dst_v)
                pltpu.sync_copy(ws_hbm.at[pl.ds(off, WSZ)], w_v)

            @pl.when(g >= G_FULL)
            def _():
                off = (g - G_FULL) * WSZ
                pltpu.sync_copy(srct_hbm.at[pl.ds(off, WSZ)], src_v)
                pltpu.sync_copy(dstt_hbm.at[pl.ds(off, WSZ)], dst_v)
                pltpu.sync_copy(wt_hbm.at[pl.ds(off, WSZ)], w_v)

            for b in range(NB):
                pltpu.async_copy(
                    x_hbm.at[src_v.at[pl.ds(b * CH, CH)]], bufs[b],
                    sems_g[b])

        with jax.named_scope("sc_mainloop"):
            @pl.loop(0, S, step=NB)
            def _(j):
                for b in range(NB):
                    phase(j + b, bufs[b], sems_g[b], sems_s[b])

    with jax.named_scope("sc_barrier1"):
        plsc.subcore_barrier()

    with jax.named_scope("sc_readout"):
        pltpu.sync_copy(acc_sh.at[pl.ds(base, STRIPE)],
                        psum_hbm.at[c, pl.ds(base, STRIPE)])
        pltpu.sync_copy(hist, cnt_hbm.at[wid])


_sc_cp = pltpu.CompilerParams()
if "needs_layout_passes" in pltpu.CompilerParams.__dataclass_fields__:
    _sc_cp = dataclasses.replace(_sc_cp, needs_layout_passes=False)

_sc_aggregate = functools.partial(
    pl.kernel,
    compiler_params=_sc_cp,
    out_type=[
        jax.ShapeDtypeStruct((NC, N_ACC, D), jnp.float32),
        jax.ShapeDtypeStruct((NW, N_ACC), jnp.float32),
    ],
    mesh=plsc.VectorSubcoreMesh(core_axis_name="c", subcore_axis_name="s"),
    scratch_types=[
        pltpu.VMEM((S * CH,), jnp.int32),
        pltpu.VMEM((S * CH,), jnp.int32),
        pltpu.VMEM((S * CH,), jnp.float32),
        pltpu.VMEM((CH, D), jnp.float32),
        pltpu.VMEM((CH, D), jnp.float32),
        pltpu.VMEM((CH, D), jnp.float32),
        pltpu.VMEM((CH, D), jnp.float32),
        pltpu.VMEM((N_ACC,), jnp.float32),
        pltpu.VMEM_SHARED((N_ACC, D), jnp.float32),
        pltpu.SemaphoreType.DMA,
        pltpu.SemaphoreType.DMA,
        pltpu.SemaphoreType.DMA,
        pltpu.SemaphoreType.DMA,
        pltpu.SemaphoreType.DMA,
        pltpu.SemaphoreType.DMA,
        pltpu.SemaphoreType.DMA,
        pltpu.SemaphoreType.DMA,
    ],
)(_sc_body)


BLK = 2000


def _tc_body(p_ref, c_ref, w_ref, b_ref, o_ref):
    ssum = p_ref[0] + p_ref[1]
    h = jnp.tanh(ssum / jnp.maximum(c_ref[...], 1.0))
    o_ref[...] = lax.dot_general(
        h, w_ref[...], (((1,), (1,)), ((), ())),
        preferred_element_type=jnp.float32) + b_ref[...]


_tc_finish = pl.pallas_call(
    _tc_body,
    grid=(N_NODES // BLK,),
    in_specs=[
        pl.BlockSpec((NC, BLK, D), lambda i: (0, i, 0)),
        pl.BlockSpec((BLK, 1), lambda i: (i, 0)),
        pl.BlockSpec((D, D), lambda i: (0, 0)),
        pl.BlockSpec((1, D), lambda i: (0, 0)),
    ],
    out_specs=pl.BlockSpec((BLK, D), lambda i: (i, 0)),
    out_shape=jax.ShapeDtypeStruct((N_NODES, D), jnp.float32),
)


def kernel(x, edge_index, edge_weight, W, b):
    src = edge_index[0].astype(jnp.int32)
    dst = edge_index[1].astype(jnp.int32)
    w = edge_weight.astype(jnp.float32)
    tail0 = G_FULL * WSZ
    pad = EPAD - N_EDGES
    pad_i = jnp.arange(pad, dtype=jnp.int32)
    src_t = jnp.concatenate([src[tail0:], pad_i % N_NODES])
    dst_t = jnp.concatenate(
        [dst[tail0:], N_NODES + pad_i % (N_ACC - N_NODES)])
    w_t = jnp.concatenate([w[tail0:], jnp.zeros((pad,), jnp.float32)])
    psum, cnt = _sc_aggregate(x, src, dst, w, src_t, dst_t, w_t)
    cnt_col = jnp.sum(cnt, axis=0)[:, None]
    return _tc_finish(psum, cnt_col, W, b.reshape(1, D))

# --- scband reference (transcript-rebuilt; emitter-appended) ---
"""Pipeline reference for scband-node-times-edge-90512140796796 (READ-ONLY COPY).

The authoritative reference and input builder live on the scoring server;
editing this copy changes nothing except your own understanding.
"""

import jax, jax.numpy as jnp
import numpy as np

N_NODES = 10000
N_EDGES = 320000
D_IN = 128
D_OUT = 128


def setup_inputs(seed: int = 0) -> dict:
    key = jax.random.key(seed)
    k1, k2, k3, k4, k5 = jax.random.split(key, 5)
    x = jax.random.normal(k1, (N_NODES, D_IN), dtype=jnp.float32)
    edge_index = jax.random.randint(k2, (2, N_EDGES), 0, N_NODES, dtype=jnp.int64)
    edge_weight = jax.random.normal(k3, (N_EDGES,), dtype=jnp.float32)
    W = jax.random.normal(k4, (D_OUT, D_IN), dtype=jnp.float32) * (1.0 / np.sqrt(D_IN))
    b = jax.random.normal(k5, (D_OUT,), dtype=jnp.float32) * 0.01
    return {"x": x, "edge_index": edge_index, "edge_weight": edge_weight, "W": W, "b": b}


def reference(x, edge_index, edge_weight, W, b):
    # DGL update_all(fn.u_mul_e('h','w','m'), fn.mean('m','h')):
    # message = src_node_feat * edge_weight; aggregate = mean over incoming edges at dst
    src = edge_index[0]
    dst = edge_index[1]
    msg = x[src] * edge_weight[:, None]                                  # gather + elementwise
    summed = jax.ops.segment_sum(msg, dst, num_segments=N_NODES)        # scatter-add
    cnt = jax.ops.segment_sum(jnp.ones_like(edge_weight), dst, num_segments=N_NODES)
    h = summed / jnp.maximum(cnt, 1.0)[:, None]                          # mean; 0 for isolated nodes
    h = jnp.tanh(h)
    return h @ W.T + b

if __name__ == "__main__":
    import jax
    _d = setup_inputs()
    print(jax.jit(kernel)(*tuple(_d.values())))

</pallas_src>

<mosaic_0001>
#map = affine_map<(d0, d1) -> (0, 0)>
#map1 = affine_map<(d0, d1) -> (0)>
#map2 = affine_map<(d0, d1) -> (0, 0, 0)>
module attributes {stable_mosaic.version = 14 : i64} {
  func.func @_sc_body(%arg0: i32, %arg1: i32, %arg2: memref<10000x128xf32, #tpu.memory_space<hbm>>, %arg3: memref<320000xi32, #tpu.memory_space<hbm>>, %arg4: memref<320000xi32, #tpu.memory_space<hbm>>, %arg5: memref<320000xf32, #tpu.memory_space<hbm>>, %arg6: memref<8192xi32, #tpu.memory_space<hbm>>, %arg7: memref<8192xi32, #tpu.memory_space<hbm>>, %arg8: memref<8192xf32, #tpu.memory_space<hbm>>, %arg9: memref<2x10112x128xf32, #tpu.memory_space<hbm>>, %arg10: memref<32x10112xf32, #tpu.memory_space<hbm>>, %arg11: memref<2048xi32, #tpu.memory_space<vmem>>, %arg12: memref<2048xi32, #tpu.memory_space<vmem>>, %arg13: memref<2048xf32, #tpu.memory_space<vmem>>, %arg14: memref<64x128xf32, #tpu.memory_space<vmem>>, %arg15: memref<64x128xf32, #tpu.memory_space<vmem>>, %arg16: memref<64x128xf32, #tpu.memory_space<vmem>>, %arg17: memref<64x128xf32, #tpu.memory_space<vmem>>, %arg18: memref<10112xf32, #tpu.memory_space<vmem>>, %arg19: memref<10112x128xf32, #tpu.memory_space<vmem_shared>>, %arg20: memref<!tpu.dma_semaphore, #tpu.memory_space<semaphore_mem>>, %arg21: memref<!tpu.dma_semaphore, #tpu.memory_space<semaphore_mem>>, %arg22: memref<!tpu.dma_semaphore, #tpu.memory_space<semaphore_mem>>, %arg23: memref<!tpu.dma_semaphore, #tpu.memory_space<semaphore_mem>>, %arg24: memref<!tpu.dma_semaphore, #tpu.memory_space<semaphore_mem>>, %arg25: memref<!tpu.dma_semaphore, #tpu.memory_space<semaphore_mem>>, %arg26: memref<!tpu.dma_semaphore, #tpu.memory_space<semaphore_mem>>, %arg27: memref<!tpu.dma_semaphore, #tpu.memory_space<semaphore_mem>>) attributes {dimension_semantics = [#tpu.dimension_semantics<core_parallel>, #tpu.dimension_semantics<subcore_parallel>], iteration_bounds = array<i64: 2, 16>, scalar_prefetch = 0 : i64, scratch_operands = 17 : i64, tpu.core_type = #tpu.core_type<sc_vector_subcore>, window_params = [{transform_indices = #map}, {transform_indices = #map1}, {transform_indices = #map1}, {transform_indices = #map1}, {transform_indices = #map1}, {transform_indices = #map1}, {transform_indices = #map1}, {transform_indices = #map2}, {transform_indices = #map}]} {
    %mul3A = arith.constant 16 : i32
    %mul3A_0 = arith.muli %arg0, %mul3A : i32
    %add3A = arith.addi %mul3A_0, %arg1 : i32
    %broadcast_in_dim3A = arith.constant 0.000000e+00 : f32
    %broadcast_in_dim3A_1 = vector.broadcast %broadcast_in_dim3A : f32 to vector<16xf32>
    %mul3A_2 = arith.constant 632 : i32
    %mul3A_3 = arith.muli %arg1, %mul3A_2 : i32
    "tpu.trace_start"() <{level = 10 : i32, message = "sc_init"}> : () -> ()
    %scan3A = arith.constant 0 : i32
    %scan3A_4 = arith.constant 632 : i32
    %scan3A_5 = arith.addi %scan3A, %scan3A_4 : i32
    %scan3A_6 = arith.constant 1 : i32
    scf.for %scan3A_40 = %scan3A to %scan3A_5 step %scan3A_6  : i32 {
      %mul3A_41 = arith.constant 16 : i32
      %mul3A_42 = arith.muli %scan3A_40, %mul3A_41 : i32
      %add3A_43 = arith.constant 0 : i32
      %add3A_44 = arith.addi %add3A_43, %mul3A_42 : i32
      %swap3A = arith.index_cast %add3A_44 : i32 to index
      %swap3A_45 = tpu.vector_load %arg18[%swap3A] {strides = array<i32>} : memref<10112xf32, #tpu.memory_space<vmem>>, vector<16xf32>,
      tpu.vector_store %arg18[%swap3A], %broadcast_in_dim3A_1 {strides = array<i32>} : memref<10112xf32, #tpu.memory_space<vmem>>, vector<16xf32>,
    }
    %scan3A_7 = arith.constant 632 : i32
    %scan3A_8 = arith.constant 0 : i32
    %scan3A_9 = arith.constant 64 : i32
    %scan3A_10 = arith.addi %scan3A_8, %scan3A_9 : i32
    %scan3A_11 = arith.constant 1 : i32
    scf.for %scan3A_40 = %scan3A_8 to %scan3A_10 step %scan3A_11  : i32 {
      %mul3A_41 = arith.constant 1 : i32
      %mul3A_42 = arith.muli %scan3A_40, %mul3A_41 : i32
      %add3A_43 = arith.constant 0 : i32
      %add3A_44 = arith.addi %add3A_43, %mul3A_42 : i32
      %swap3A = arith.index_cast %add3A_44 : i32 to index
      %swap3A_45 = arith.constant 0 : index
      %swap3A_46 = tpu.vector_load %arg14[%swap3A, %swap3A_45] {strides = array<i32>} : memref<64x128xf32, #tpu.memory_space<vmem>>, vector<16xf32>,
      tpu.vector_store %arg14[%swap3A, %swap3A_45], %broadcast_in_dim3A_1 {strides = array<i32>} : memref<64x128xf32, #tpu.memory_space<vmem>>, vector<16xf32>,
      %swap3A_47 = arith.index_cast %add3A_44 : i32 to index
      %swap3A_48 = arith.constant 16 : index
      %swap3A_49 = tpu.vector_load %arg14[%swap3A_47, %swap3A_48] {strides = array<i32>} : memref<64x128xf32, #tpu.memory_space<vmem>>, vector<16xf32>,
      tpu.vector_store %arg14[%swap3A_47, %swap3A_48], %broadcast_in_dim3A_1 {strides = array<i32>} : memref<64x128xf32, #tpu.memory_space<vmem>>, vector<16xf32>,
      %swap3A_50 = arith.index_cast %add3A_44 : i32 to index
      %swap3A_51 = arith.constant 32 : index
      %swap3A_52 = tpu.vector_load %arg14[%swap3A_50, %swap3A_51] {strides = array<i32>} : memref<64x128xf32, #tpu.memory_space<vmem>>, vector<16xf32>,
      tpu.vector_store %arg14[%swap3A_50, %swap3A_51], %broadcast_in_dim3A_1 {strides = array<i32>} : memref<64x128xf32, #tpu.memory_space<vmem>>, vector<16xf32>,
      %swap3A_53 = arith.index_cast %add3A_44 : i32 to index
      %swap3A_54 = arith.constant 48 : index
      %swap3A_55 = tpu.vector_load %arg14[%swap3A_53, %swap3A_54] {strides = array<i32>} : memref<64x128xf32, #tpu.memory_space<vmem>>, vector<16xf32>,
      tpu.vector_store %arg14[%swap3A_53, %swap3A_54], %broadcast_in_dim3A_1 {strides = array<i32>} : memref<64x128xf32, #tpu.memory_space<vmem>>, vector<16xf32>,
      %swap3A_56 = arith.index_cast %add3A_44 : i32 to index
      %swap3A_57 = arith.constant 64 : index
      %swap3A_58 = tpu.vector_load %arg14[%swap3A_56, %swap3A_57] {strides = array<i32>} : memref<64x128xf32, #tpu.memory_space<vmem>>, vector<16xf32>,
      tpu.vector_store %arg14[%swap3A_56, %swap3A_57], %broadcast_in_dim3A_1 {strides = array<i32>} : memref<64x128xf32, #tpu.memory_space<vmem>>, vector<16xf32>,
      %swap3A_59 = arith.index_cast %add3A_44 : i32 to index
      %swap3A_60 = arith.constant 80 : index
      %swap3A_61 = tpu.vector_load %arg14[%swap3A_59, %swap3A_60] {strides = array<i32>} : memref<64x128xf32, #tpu.memory_space<vmem>>, vector<16xf32>,
      tpu.vector_store %arg14[%swap3A_59, %swap3A_60], %broadcast_in_dim3A_1 {strides = array<i32>} : memref<64x128xf32, #tpu.memory_space<vmem>>, vector<16xf32>,
      %swap3A_62 = arith.index_cast %add3A_44 : i32 to index
      %swap3A_63 = arith.constant 96 : index
      %swap3A_64 = tpu.vector_load %arg14[%swap3A_62, %swap3A_63] {strides = array<i32>} : memref<64x128xf32, #tpu.memory_space<vmem>>, vector<16xf32>,
      tpu.vector_store %arg14[%swap3A_62, %swap3A_63], %broadcast_in_dim3A_1 {strides = array<i32>} : memref<64x128xf32, #tpu.memory_space<vmem>>, vector<16xf32>,
      %swap3A_65 = arith.index_cast %add3A_44 : i32 to index
      %swap3A_66 = arith.constant 112 : index
      %swap3A_67 = tpu.vector_load %arg14[%swap3A_65, %swap3A_66] {strides = array<i32>} : memref<64x128xf32, #tpu.memory_space<vmem>>, vector<16xf32>,
      tpu.vector_store %arg14[%swap3A_65, %swap3A_66], %broadcast_in_dim3A_1 {strides = array<i32>} : memref<64x128xf32, #tpu.memory_space<vmem>>, vector<16xf32>,
    }
    %scan3A_12 = arith.constant 64 : i32
    %add3A_13 = arith.constant 0 : i32
    %add3A_14 = arith.addi %mul3A_3, %add3A_13 : i32
    "tpu.region"() ({
      %run_scoped3A = tpu.sem_alloc : memref<!tpu.dma_semaphore, #tpu.memory_space<semaphore_mem>>
      %dma_start3A = arith.constant 0 : i32
      %dma_start3A_40 = tpu.memref_slice %arg19[%add3A_14, %dma_start3A] : memref<10112x128xf32, #tpu.memory_space<vmem_shared>> -> memref<64x128xf32, #tpu.memory_space<vmem_shared>>
      %dma_start3A_41 = arith.constant 0 : i32
      %dma_start3A_42 = tpu.memref_slice %arg19[%add3A_14, %dma_start3A_41] : memref<10112x128xf32, #tpu.memory_space<vmem_shared>> -> memref<64x128xf32, #tpu.memory_space<vmem_shared>>
      tpu.enqueue_dma source(%arg14 : memref<64x128xf32, #tpu.memory_space<vmem>>) target(%dma_start3A_42 : memref<64x128xf32, #tpu.memory_space<vmem_shared>>) target_semaphore(%run_scoped3A : memref<!tpu.dma_semaphore, #tpu.memory_space<semaphore_mem>>)
      %dma_wait3A = arith.constant 0 : i32
      %dma_wait3A_43 = tpu.memref_slice %arg19[%add3A_14, %dma_wait3A] : memref<10112x128xf32, #tpu.memory_space<vmem_shared>> -> memref<64x128xf32, #tpu.memory_space<vmem_shared>>
      %dma_wait3A_44 = arith.constant 0 : i32
      %dma_wait3A_45 = tpu.memref_slice %arg19[%add3A_14, %dma_wait3A_44] : memref<10112x128xf32, #tpu.memory_space<vmem_shared>> -> memref<64x128xf32, #tpu.memory_space<vmem_shared>>
      tpu.wait_dma2 semaphore(%run_scoped3A : memref<!tpu.dma_semaphore, #tpu.memory_space<semaphore_mem>>) src(%arg14 : memref<64x128xf32, #tpu.memory_space<vmem>>) dst(%dma_wait3A_45 : memref<64x128xf32, #tpu.memory_space<vmem_shared>>)
      tpu.yield
    }) : () -> ()
    %add3A_15 = arith.constant 64 : i32
    %add3A_16 = arith.addi %mul3A_3, %add3A_15 : i32
    "tpu.region"() ({
      %run_scoped3A = tpu.sem_alloc : memref<!tpu.dma_semaphore, #tpu.memory_space<semaphore_mem>>
      %dma_start3A = arith.constant 0 : i32
      %dma_start3A_40 = tpu.memref_slice %arg19[%add3A_16, %dma_start3A] : memref<10112x128xf32, #tpu.memory_space<vmem_shared>> -> memref<64x128xf32, #tpu.memory_space<vmem_shared>>
      %dma_start3A_41 = arith.constant 0 : i32
      %dma_start3A_42 = tpu.memref_slice %arg19[%add3A_16, %dma_start3A_41] : memref<10112x128xf32, #tpu.memory_space<vmem_shared>> -> memref<64x128xf32, #tpu.memory_space<vmem_shared>>
      tpu.enqueue_dma source(%arg14 : memref<64x128xf32, #tpu.memory_space<vmem>>) target(%dma_start3A_42 : memref<64x128xf32, #tpu.memory_space<vmem_shared>>) target_semaphore(%run_scoped3A : memref<!tpu.dma_semaphore, #tpu.memory_space<semaphore_mem>>)
      %dma_wait3A = arith.constant 0 : i32
      %dma_wait3A_43 = tpu.memref_slice %arg19[%add3A_16, %dma_wait3A] : memref<10112x128xf32, #tpu.memory_space<vmem_shared>> -> memref<64x128xf32, #tpu.memory_space<vmem_shared>>
      %dma_wait3A_44 = arith.constant 0 : i32
      %dma_wait3A_45 = tpu.memref_slice %arg19[%add3A_16, %dma_wait3A_44] : memref<10112x128xf32, #tpu.memory_space<vmem_shared>> -> memref<64x128xf32, #tpu.memory_space<vmem_shared>>
      tpu.wait_dma2 semaphore(%run_scoped3A : memref<!tpu.dma_semaphore, #tpu.memory_space<semaphore_mem>>) src(%arg14 : memref<64x128xf32, #tpu.memory_space<vmem>>) dst(%dma_wait3A_45 : memref<64x128xf32, #tpu.memory_space<vmem_shared>>)
      tpu.yield
    }) : () -> ()
    %add3A_17 = arith.constant 128 : i32
    %add3A_18 = arith.addi %mul3A_3, %add3A_17 : i32
    "tpu.region"() ({
      %run_scoped3A = tpu.sem_alloc : memref<!tpu.dma_semaphore, #tpu.memory_space<semaphore_mem>>
      %dma_start3A = arith.constant 0 : i32
      %dma_start3A_40 = tpu.memref_slice %arg19[%add3A_18, %dma_start3A] : memref<10112x128xf32, #tpu.memory_space<vmem_shared>> -> memref<64x128xf32, #tpu.memory_space<vmem_shared>>
      %dma_start3A_41 = arith.constant 0 : i32
      %dma_start3A_42 = tpu.memref_slice %arg19[%add3A_18, %dma_start3A_41] : memref<10112x128xf32, #tpu.memory_space<vmem_shared>> -> memref<64x128xf32, #tpu.memory_space<vmem_shared>>
      tpu.enqueue_dma source(%arg14 : memref<64x128xf32, #tpu.memory_space<vmem>>) target(%dma_start3A_42 : memref<64x128xf32, #tpu.memory_space<vmem_shared>>) target_semaphore(%run_scoped3A : memref<!tpu.dma_semaphore, #tpu.memory_space<semaphore_mem>>)
      %dma_wait3A = arith.constant 0 : i32
      %dma_wait3A_43 = tpu.memref_slice %arg19[%add3A_18, %dma_wait3A] : memref<10112x128xf32, #tpu.memory_space<vmem_shared>> -> memref<64x128xf32, #tpu.memory_space<vmem_shared>>
      %dma_wait3A_44 = arith.constant 0 : i32
      %dma_wait3A_45 = tpu.memref_slice %arg19[%add3A_18, %dma_wait3A_44] : memref<10112x128xf32, #tpu.memory_space<vmem_shared>> -> memref<64x128xf32, #tpu.memory_space<vmem_shared>>
      tpu.wait_dma2 semaphore(%run_scoped3A : memref<!tpu.dma_semaphore, #tpu.memory_space<semaphore_mem>>) src(%arg14 : memref<64x128xf32, #tpu.memory_space<vmem>>) dst(%dma_wait3A_45 : memref<64x128xf32, #tpu.memory_space<vmem_shared>>)
      tpu.yield
    }) : () -> ()
    %add3A_19 = arith.constant 192 : i32
    %add3A_20 = arith.addi %mul3A_3, %add3A_19 : i32
    "tpu.region"() ({
      %run_scoped3A = tpu.sem_alloc : memref<!tpu.dma_semaphore, #tpu.memory_space<semaphore_mem>>
      %dma_start3A = arith.constant 0 : i32
      %dma_start3A_40 = tpu.memref_slice %arg19[%add3A_20, %dma_start3A] : memref<10112x128xf32, #tpu.memory_space<vmem_shared>> -> memref<64x128xf32, #tpu.memory_space<vmem_shared>>
      %dma_start3A_41 = arith.constant 0 : i32
      %dma_start3A_42 = tpu.memref_slice %arg19[%add3A_20, %dma_start3A_41] : memref<10112x128xf32, #tpu.memory_space<vmem_shared>> -> memref<64x128xf32, #tpu.memory_space<vmem_shared>>
      tpu.enqueue_dma source(%arg14 : memref<64x128xf32, #tpu.memory_space<vmem>>) target(%dma_start3A_42 : memref<64x128xf32, #tpu.memory_space<vmem_shared>>) target_semaphore(%run_scoped3A : memref<!tpu.dma_semaphore, #tpu.memory_space<semaphore_mem>>)
      %dma_wait3A = arith.constant 0 : i32
      %dma_wait3A_43 = tpu.memref_slice %arg19[%add3A_20, %dma_wait3A] : memref<10112x128xf32, #tpu.memory_space<vmem_shared>> -> memref<64x128xf32, #tpu.memory_space<vmem_shared>>
      %dma_wait3A_44 = arith.constant 0 : i32
      %dma_wait3A_45 = tpu.memref_slice %arg19[%add3A_20, %dma_wait3A_44] : memref<10112x128xf32, #tpu.memory_space<vmem_shared>> -> memref<64x128xf32, #tpu.memory_space<vmem_shared>>
      tpu.wait_dma2 semaphore(%run_scoped3A : memref<!tpu.dma_semaphore, #tpu.memory_space<semaphore_mem>>) src(%arg14 : memref<64x128xf32, #tpu.memory_space<vmem>>) dst(%dma_wait3A_45 : memref<64x128xf32, #tpu.memory_space<vmem_shared>>)
      tpu.yield
    }) : () -> ()
    %add3A_21 = arith.constant 256 : i32
    %add3A_22 = arith.addi %mul3A_3, %add3A_21 : i32
    "tpu.region"() ({
      %run_scoped3A = tpu.sem_alloc : memref<!tpu.dma_semaphore, #tpu.memory_space<semaphore_mem>>
      %dma_start3A = arith.constant 0 : i32
      %dma_start3A_40 = tpu.memref_slice %arg19[%add3A_22, %dma_start3A] : memref<10112x128xf32, #tpu.memory_space<vmem_shared>> -> memref<64x128xf32, #tpu.memory_space<vmem_shared>>
      %dma_start3A_41 = arith.constant 0 : i32
      %dma_start3A_42 = tpu.memref_slice %arg19[%add3A_22, %dma_start3A_41] : memref<10112x128xf32, #tpu.memory_space<vmem_shared>> -> memref<64x128xf32, #tpu.memory_space<vmem_shared>>
      tpu.enqueue_dma source(%arg14 : memref<64x128xf32, #tpu.memory_space<vmem>>) target(%dma_start3A_42 : memref<64x128xf32, #tpu.memory_space<vmem_shared>>) target_semaphore(%run_scoped3A : memref<!tpu.dma_semaphore, #tpu.memory_space<semaphore_mem>>)
      %dma_wait3A = arith.constant 0 : i32
      %dma_wait3A_43 = tpu.memref_slice %arg19[%add3A_22, %dma_wait3A] : memref<10112x128xf32, #tpu.memory_space<vmem_shared>> -> memref<64x128xf32, #tpu.memory_space<vmem_shared>>
      %dma_wait3A_44 = arith.constant 0 : i32
      %dma_wait3A_45 = tpu.memref_slice %arg19[%add3A_22, %dma_wait3A_44] : memref<10112x128xf32, #tpu.memory_space<vmem_shared>> -> memref<64x128xf32, #tpu.memory_space<vmem_shared>>
      tpu.wait_dma2 semaphore(%run_scoped3A : memref<!tpu.dma_semaphore, #tpu.memory_space<semaphore_mem>>) src(%arg14 : memref<64x128xf32, #tpu.memory_space<vmem>>) dst(%dma_wait3A_45 : memref<64x128xf32, #tpu.memory_space<vmem_shared>>)
      tpu.yield
    }) : () -> ()
    %add3A_23 = arith.constant 320 : i32
    %add3A_24 = arith.addi %mul3A_3, %add3A_23 : i32
    "tpu.region"() ({
      %run_scoped3A = tpu.sem_alloc : memref<!tpu.dma_semaphore, #tpu.memory_space<semaphore_mem>>
      %dma_start3A = arith.constant 0 : i32
      %dma_start3A_40 = tpu.memref_slice %arg19[%add3A_24, %dma_start3A] : memref<10112x128xf32, #tpu.memory_space<vmem_shared>> -> memref<64x128xf32, #tpu.memory_space<vmem_shared>>
      %dma_start3A_41 = arith.constant 0 : i32
      %dma_start3A_42 = tpu.memref_slice %arg19[%add3A_24, %dma_start3A_41] : memref<10112x128xf32, #tpu.memory_space<vmem_shared>> -> memref<64x128xf32, #tpu.memory_space<vmem_shared>>
      tpu.enqueue_dma source(%arg14 : memref<64x128xf32, #tpu.memory_space<vmem>>) target(%dma_start3A_42 : memref<64x128xf32, #tpu.memory_space<vmem_shared>>) target_semaphore(%run_scoped3A : memref<!tpu.dma_semaphore, #tpu.memory_space<semaphore_mem>>)
      %dma_wait3A = arith.constant 0 : i32
      %dma_wait3A_43 = tpu.memref_slice %arg19[%add3A_24, %dma_wait3A] : memref<10112x128xf32, #tpu.memory_space<vmem_shared>> -> memref<64x128xf32, #tpu.memory_space<vmem_shared>>
      %dma_wait3A_44 = arith.constant 0 : i32
      %dma_wait3A_45 = tpu.memref_slice %arg19[%add3A_24, %dma_wait3A_44] : memref<10112x128xf32, #tpu.memory_space<vmem_shared>> -> memref<64x128xf32, #tpu.memory_space<vmem_shared>>
      tpu.wait_dma2 semaphore(%run_scoped3A : memref<!tpu.dma_semaphore, #tpu.memory_space<semaphore_mem>>) src(%arg14 : memref<64x128xf32, #tpu.memory_space<vmem>>) dst(%dma_wait3A_45 : memref<64x128xf32, #tpu.memory_space<vmem_shared>>)
      tpu.yield
    }) : () -> ()
    %add3A_25 = arith.constant 384 : i32
    %add3A_26 = arith.addi %mul3A_3, %add3A_25 : i32
    "tpu.region"() ({
      %run_scoped3A = tpu.sem_alloc : memref<!tpu.dma_semaphore, #tpu.memory_space<semaphore_mem>>
      %dma_start3A = arith.constant 0 : i32
      %dma_start3A_40 = tpu.memref_slice %arg19[%add3A_26, %dma_start3A] : memref<10112x128xf32, #tpu.memory_space<vmem_shared>> -> memref<64x128xf32, #tpu.memory_space<vmem_shared>>
      %dma_start3A_41 = arith.constant 0 : i32
      %dma_start3A_42 = tpu.memref_slice %arg19[%add3A_26, %dma_start3A_41] : memref<10112x128xf32, #tpu.memory_space<vmem_shared>> -> memref<64x128xf32, #tpu.memory_space<vmem_shared>>
      tpu.enqueue_dma source(%arg14 : memref<64x128xf32, #tpu.memory_space<vmem>>) target(%dma_start3A_42 : memref<64x128xf32, #tpu.memory_space<vmem_shared>>) target_semaphore(%run_scoped3A : memref<!tpu.dma_semaphore, #tpu.memory_space<semaphore_mem>>)
      %dma_wait3A = arith.constant 0 : i32
      %dma_wait3A_43 = tpu.memref_slice %arg19[%add3A_26, %dma_wait3A] : memref<10112x128xf32, #tpu.memory_space<vmem_shared>> -> memref<64x128xf32, #tpu.memory_space<vmem_shared>>
      %dma_wait3A_44 = arith.constant 0 : i32
      %dma_wait3A_45 = tpu.memref_slice %arg19[%add3A_26, %dma_wait3A_44] : memref<10112x128xf32, #tpu.memory_space<vmem_shared>> -> memref<64x128xf32, #tpu.memory_space<vmem_shared>>
      tpu.wait_dma2 semaphore(%run_scoped3A : memref<!tpu.dma_semaphore, #tpu.memory_space<semaphore_mem>>) src(%arg14 : memref<64x128xf32, #tpu.memory_space<vmem>>) dst(%dma_wait3A_45 : memref<64x128xf32, #tpu.memory_space<vmem_shared>>)
      tpu.yield
    }) : () -> ()
    %add3A_27 = arith.constant 448 : i32
    %add3A_28 = arith.addi %mul3A_3, %add3A_27 : i32
    "tpu.region"() ({
      %run_scoped3A = tpu.sem_alloc : memref<!tpu.dma_semaphore, #tpu.memory_space<semaphore_mem>>
      %dma_start3A = arith.constant 0 : i32
      %dma_start3A_40 = tpu.memref_slice %arg19[%add3A_28, %dma_start3A] : memref<10112x128xf32, #tpu.memory_space<vmem_shared>> -> memref<64x128xf32, #tpu.memory_space<vmem_shared>>
      %dma_start3A_41 = arith.constant 0 : i32
      %dma_start3A_42 = tpu.memref_slice %arg19[%add3A_28, %dma_start3A_41] : memref<10112x128xf32, #tpu.memory_space<vmem_shared>> -> memref<64x128xf32, #tpu.memory_space<vmem_shared>>
      tpu.enqueue_dma source(%arg14 : memref<64x128xf32, #tpu.memory_space<vmem>>) target(%dma_start3A_42 : memref<64x128xf32, #tpu.memory_space<vmem_shared>>) target_semaphore(%run_scoped3A : memref<!tpu.dma_semaphore, #tpu.memory_space<semaphore_mem>>)
      %dma_wait3A = arith.constant 0 : i32
      %dma_wait3A_43 = tpu.memref_slice %arg19[%add3A_28, %dma_wait3A] : memref<10112x128xf32, #tpu.memory_space<vmem_shared>> -> memref<64x128xf32, #tpu.memory_space<vmem_shared>>
      %dma_wait3A_44 = arith.constant 0 : i32
      %dma_wait3A_45 = tpu.memref_slice %arg19[%add3A_28, %dma_wait3A_44] : memref<10112x128xf32, #tpu.memory_space<vmem_shared>> -> memref<64x128xf32, #tpu.memory_space<vmem_shared>>
      tpu.wait_dma2 semaphore(%run_scoped3A : memref<!tpu.dma_semaphore, #tpu.memory_space<semaphore_mem>>) src(%arg14 : memref<64x128xf32, #tpu.memory_space<vmem>>) dst(%dma_wait3A_45 : memref<64x128xf32, #tpu.memory_space<vmem_shared>>)
      tpu.yield
    }) : () -> ()
    %add3A_29 = arith.constant 512 : i32
    %add3A_30 = arith.addi %mul3A_3, %add3A_29 : i32
    "tpu.region"() ({
      %run_scoped3A = tpu.sem_alloc : memref<!tpu.dma_semaphore, #tpu.memory_space<semaphore_mem>>
      %dma_start3A = arith.constant 0 : i32
      %dma_start3A_40 = tpu.memref_slice %arg19[%add3A_30, %dma_start3A] : memref<10112x128xf32, #tpu.memory_space<vmem_shared>> -> memref<64x128xf32, #tpu.memory_space<vmem_shared>>
      %dma_start3A_41 = arith.constant 0 : i32
      %dma_start3A_42 = tpu.memref_slice %arg19[%add3A_30, %dma_start3A_41] : memref<10112x128xf32, #tpu.memory_space<vmem_shared>> -> memref<64x128xf32, #tpu.memory_space<vmem_shared>>
      tpu.enqueue_dma source(%arg14 : memref<64x128xf32, #tpu.memory_space<vmem>>) target(%dma_start3A_42 : memref<64x128xf32, #tpu.memory_space<vmem_shared>>) target_semaphore(%run_scoped3A : memref<!tpu.dma_semaphore, #tpu.memory_space<semaphore_mem>>)
      %dma_wait3A = arith.constant 0 : i32
      %dma_wait3A_43 = tpu.memref_slice %arg19[%add3A_30, %dma_wait3A] : memref<10112x128xf32, #tpu.memory_space<vmem_shared>> -> memref<64x128xf32, #tpu.memory_space<vmem_shared>>
      %dma_wait3A_44 = arith.constant 0 : i32
      %dma_wait3A_45 = tpu.memref_slice %arg19[%add3A_30, %dma_wait3A_44] : memref<10112x128xf32, #tpu.memory_space<vmem_shared>> -> memref<64x128xf32, #tpu.memory_space<vmem_shared>>
      tpu.wait_dma2 semaphore(%run_scoped3A : memref<!tpu.dma_semaphore, #tpu.memory_space<semaphore_mem>>) src(%arg14 : memref<64x128xf32, #tpu.memory_space<vmem>>) dst(%dma_wait3A_45 : memref<64x128xf32, #tpu.memory_space<vmem_shared>>)
      tpu.yield
    }) : () -> ()
    %add3A_31 = arith.constant 632 : i32
    %add3A_32 = arith.addi %mul3A_3, %add3A_31 : i32
    %sub3A = arith.constant 56 : i32
    %sub3A_33 = arith.subi %add3A_32, %sub3A : i32
    "tpu.region"() ({
      %run_scoped3A = tpu.sem_alloc : memref<!tpu.dma_semaphore, #tpu.memory_space<semaphore_mem>>
      %dma_start3A = arith.constant 0 : i32
      %dma_start3A_40 = arith.constant 0 : i32
      %dma_start3A_41 = tpu.memref_slice %arg14[%dma_start3A, %dma_start3A_40] : memref<64x128xf32, #tpu.memory_space<vmem>> -> memref<56x128xf32, #tpu.memory_space<vmem>>
      %dma_start3A_42 = arith.constant 0 : i32
      %dma_start3A_43 = tpu.memref_slice %arg19[%sub3A_33, %dma_start3A_42] : memref<10112x128xf32, #tpu.memory_space<vmem_shared>> -> memref<56x128xf32, #tpu.memory_space<vmem_shared>>
      %dma_start3A_44 = arith.constant 0 : i32
      %dma_start3A_45 = tpu.memref_slice %arg19[%sub3A_33, %dma_start3A_44] : memref<10112x128xf32, #tpu.memory_space<vmem_shared>> -> memref<56x128xf32, #tpu.memory_space<vmem_shared>>
      %dma_start3A_46 = arith.constant 0 : i32
      %dma_start3A_47 = arith.constant 0 : i32
      %dma_start3A_48 = tpu.memref_slice %arg14[%dma_start3A_46, %dma_start3A_47] : memref<64x128xf32, #tpu.memory_space<vmem>> -> memref<56x128xf32, #tpu.memory_space<vmem>>
      tpu.enqueue_dma source(%dma_start3A_48 : memref<56x128xf32, #tpu.memory_space<vmem>>) target(%dma_start3A_45 : memref<56x128xf32, #tpu.memory_space<vmem_shared>>) target_semaphore(%run_scoped3A : memref<!tpu.dma_semaphore, #tpu.memory_space<semaphore_mem>>)
      %dma_wait3A = arith.constant 0 : i32
      %dma_wait3A_49 = arith.constant 0 : i32
      %dma_wait3A_50 = tpu.memref_slice %arg14[%dma_wait3A, %dma_wait3A_49] : memref<64x128xf32, #tpu.memory_space<vmem>> -> memref<56x128xf32, #tpu.memory_space<vmem>>
      %dma_wait3A_51 = arith.constant 0 : i32
      %dma_wait3A_52 = tpu.memref_slice %arg19[%sub3A_33, %dma_wait3A_51] : memref<10112x128xf32, #tpu.memory_space<vmem_shared>> -> memref<56x128xf32, #tpu.memory_space<vmem_shared>>
      %dma_wait3A_53 = arith.constant 0 : i32
      %dma_wait3A_54 = tpu.memref_slice %arg19[%sub3A_33, %dma_wait3A_53] : memref<10112x128xf32, #tpu.memory_space<vmem_shared>> -> memref<56x128xf32, #tpu.memory_space<vmem_shared>>
      %dma_wait3A_55 = arith.constant 0 : i32
      %dma_wait3A_56 = arith.constant 0 : i32
      %dma_wait3A_57 = tpu.memref_slice %arg14[%dma_wait3A_55, %dma_wait3A_56] : memref<64x128xf32, #tpu.memory_space<vmem>> -> memref<56x128xf32, #tpu.memory_space<vmem>>
      tpu.wait_dma2 semaphore(%run_scoped3A : memref<!tpu.dma_semaphore, #tpu.memory_space<semaphore_mem>>) src(%dma_wait3A_57 : memref<56x128xf32, #tpu.memory_space<vmem>>) dst(%dma_wait3A_54 : memref<56x128xf32, #tpu.memory_space<vmem_shared>>)
      tpu.yield
    }) : () -> ()
    "tpu.trace_stop"() : () -> ()
    "tpu.trace_start"() <{level = 10 : i32, message = "sc_barrier0"}> : () -> ()
    %barrier3A = arith.constant 0 : index
    tpu.barrier barrier_id(%barrier3A)
    "tpu.trace_stop"() : () -> ()
    %scan3A_34 = arith.constant 0 : i32
    %scan3A_35 = arith.constant 5 : i32
    %scan3A_36 = arith.addi %scan3A_34, %scan3A_35 : i32
    %scan3A_37 = arith.constant 1 : i32
    scf.for %scan3A_40 = %scan3A_34 to %scan3A_36 step %scan3A_37  : i32 {
      %mul3A_41 = arith.constant 1 : i32
      %mul3A_42 = arith.muli %scan3A_40, %mul3A_41 : i32
      %add3A_43 = arith.constant 0 : i32
      %add3A_44 = arith.addi %add3A_43, %mul3A_42 : i32
      "tpu.trace_start"() <{level = 10 : i32, message = "sc_stage"}> : () -> ()
      %mul3A_45 = arith.constant 5 : i32
      %mul3A_46 = arith.muli %add3A, %mul3A_45 : i32
      %add3A_47 = arith.addi %mul3A_46, %add3A_44 : i32
      %lt3A = arith.constant 156 : i32
      %lt3A_48 = arith.cmpi slt, %add3A_47, %lt3A : i32
      %convert_element_type3A = arith.extui %lt3A_48 : i1 to i32
      %cond3A = arith.constant 0 : i32
      %cond3A_49 = arith.cmpi ne, %convert_element_type3A, %cond3A : i32
      scf.if %cond3A_49 {
        %mul3A_78 = arith.constant 2048 : i32
        %mul3A_79 = arith.muli %add3A_47, %mul3A_78 : i32
        "tpu.region"() ({
          %run_scoped3A = tpu.sem_alloc : memref<!tpu.dma_semaphore, #tpu.memory_space<semaphore_mem>>
          %dma_start3A_80 = tpu.memref_slice %arg3[%mul3A_79] : memref<320000xi32, #tpu.memory_space<hbm>> -> memref<2048xi32, #tpu.memory_space<hbm>>
          %dma_start3A_81 = tpu.memref_slice %arg3[%mul3A_79] : memref<320000xi32, #tpu.memory_space<hbm>> -> memref<2048xi32, #tpu.memory_space<hbm>>
          tpu.enqueue_dma source(%dma_start3A_81 : memref<2048xi32, #tpu.memory_space<hbm>>) target(%arg11 : memref<2048xi32, #tpu.memory_space<vmem>>) target_semaphore(%run_scoped3A : memref<!tpu.dma_semaphore, #tpu.memory_space<semaphore_mem>>)
          %dma_wait3A = tpu.memref_slice %arg3[%mul3A_79] : memref<320000xi32, #tpu.memory_space<hbm>> -> memref<2048xi32, #tpu.memory_space<hbm>>
          %dma_wait3A_82 = tpu.memref_slice %arg3[%mul3A_79] : memref<320000xi32, #tpu.memory_space<hbm>> -> memref<2048xi32, #tpu.memory_space<hbm>>
          tpu.wait_dma2 semaphore(%run_scoped3A : memref<!tpu.dma_semaphore, #tpu.memory_space<semaphore_mem>>) src(%dma_wait3A_82 : memref<2048xi32, #tpu.memory_space<hbm>>) dst(%arg11 : memref<2048xi32, #tpu.memory_space<vmem>>)
          tpu.yield
        }) : () -> ()
        "tpu.region"() ({
          %run_scoped3A = tpu.sem_alloc : memref<!tpu.dma_semaphore, #tpu.memory_space<semaphore_mem>>
          %dma_start3A_80 = tpu.memref_slice %arg4[%mul3A_79] : memref<320000xi32, #tpu.memory_space<hbm>> -> memref<2048xi32, #tpu.memory_space<hbm>>
          %dma_start3A_81 = tpu.memref_slice %arg4[%mul3A_79] : memref<320000xi32, #tpu.memory_space<hbm>> -> memref<2048xi32, #tpu.memory_space<hbm>>
          tpu.enqueue_dma source(%dma_start3A_81 : memref<2048xi32, #tpu.memory_space<hbm>>) target(%arg12 : memref<2048xi32, #tpu.memory_space<vmem>>) target_semaphore(%run_scoped3A : memref<!tpu.dma_semaphore, #tpu.memory_space<semaphore_mem>>)
          %dma_wait3A = tpu.memref_slice %arg4[%mul3A_79] : memref<320000xi32, #tpu.memory_space<hbm>> -> memref<2048xi32, #tpu.memory_space<hbm>>
          %dma_wait3A_82 = tpu.memref_slice %arg4[%mul3A_79] : memref<320000xi32, #tpu.memory_space<hbm>> -> memref<2048xi32, #tpu.memory_space<hbm>>
          tpu.wait_dma2 semaphore(%run_scoped3A : memref<!tpu.dma_semaphore, #tpu.memory_space<semaphore_mem>>) src(%dma_wait3A_82 : memref<2048xi32, #tpu.memory_space<hbm>>) dst(%arg12 : memref<2048xi32, #tpu.memory_space<vmem>>)
          tpu.yield
        }) : () -> ()
        "tpu.region"() ({
          %run_scoped3A = tpu.sem_alloc : memref<!tpu.dma_semaphore, #tpu.memory_space<semaphore_mem>>
          %dma_start3A_80 = tpu.memref_slice %arg5[%mul3A_79] : memref<320000xf32, #tpu.memory_space<hbm>> -> memref<2048xf32, #tpu.memory_space<hbm>>
          %dma_start3A_81 = tpu.memref_slice %arg5[%mul3A_79] : memref<320000xf32, #tpu.memory_space<hbm>> -> memref<2048xf32, #tpu.memory_space<hbm>>
          tpu.enqueue_dma source(%dma_start3A_81 : memref<2048xf32, #tpu.memory_space<hbm>>) target(%arg13 : memref<2048xf32, #tpu.memory_space<vmem>>) target_semaphore(%run_scoped3A : memref<!tpu.dma_semaphore, #tpu.memory_space<semaphore_mem>>)
          %dma_wait3A = tpu.memref_slice %arg5[%mul3A_79] : memref<320000xf32, #tpu.memory_space<hbm>> -> memref<2048xf32, #tpu.memory_space<hbm>>
          %dma_wait3A_82 = tpu.memref_slice %arg5[%mul3A_79] : memref<320000xf32, #tpu.memory_space<hbm>> -> memref<2048xf32, #tpu.memory_space<hbm>>
          tpu.wait_dma2 semaphore(%run_scoped3A : memref<!tpu.dma_semaphore, #tpu.memory_space<semaphore_mem>>) src(%dma_wait3A_82 : memref<2048xf32, #tpu.memory_space<hbm>>) dst(%arg13 : memref<2048xf32, #tpu.memory_space<vmem>>)
          tpu.yield
        }) : () -> ()
      } else {
      }
      %ge3A = arith.constant 156 : i32
      %ge3A_50 = arith.cmpi sge, %add3A_47, %ge3A : i32
      %convert_element_type3A_51 = arith.extui %ge3A_50 : i1 to i32
      %cond3A_52 = arith.constant 0 : i32
      %cond3A_53 = arith.cmpi ne, %convert_element_type3A_51, %cond3A_52 : i32
      scf.if %cond3A_53 {
        %sub3A_78 = arith.constant 156 : i32
        %sub3A_79 = arith.subi %add3A_47, %sub3A_78 : i32
        %mul3A_80 = arith.constant 2048 : i32
        %mul3A_81 = arith.muli %sub3A_79, %mul3A_80 : i32
        "tpu.region"() ({
          %run_scoped3A = tpu.sem_alloc : memref<!tpu.dma_semaphore, #tpu.memory_space<semaphore_mem>>
          %dma_start3A_82 = tpu.memref_slice %arg6[%mul3A_81] : memref<8192xi32, #tpu.memory_space<hbm>> -> memref<2048xi32, #tpu.memory_space<hbm>>
          %dma_start3A_83 = tpu.memref_slice %arg6[%mul3A_81] : memref<8192xi32, #tpu.memory_space<hbm>> -> memref<2048xi32, #tpu.memory_space<hbm>>
          tpu.enqueue_dma source(%dma_start3A_83 : memref<2048xi32, #tpu.memory_space<hbm>>) target(%arg11 : memref<2048xi32, #tpu.memory_space<vmem>>) target_semaphore(%run_scoped3A : memref<!tpu.dma_semaphore, #tpu.memory_space<semaphore_mem>>)
          %dma_wait3A = tpu.memref_slice %arg6[%mul3A_81] : memref<8192xi32, #tpu.memory_space<hbm>> -> memref<2048xi32, #tpu.memory_space<hbm>>
          %dma_wait3A_84 = tpu.memref_slice %arg6[%mul3A_81] : memref<8192xi32, #tpu.memory_space<hbm>> -> memref<2048xi32, #tpu.memory_space<hbm>>
          tpu.wait_dma2 semaphore(%run_scoped3A : memref<!tpu.dma_semaphore, #tpu.memory_space<semaphore_mem>>) src(%dma_wait3A_84 : memref<2048xi32, #tpu.memory_space<hbm>>) dst(%arg11 : memref<2048xi32, #tpu.memory_space<vmem>>)
          tpu.yield
        }) : () -> ()
        "tpu.region"() ({
          %run_scoped3A = tpu.sem_alloc : memref<!tpu.dma_semaphore, #tpu.memory_space<semaphore_mem>>
          %dma_start3A_82 = tpu.memref_slice %arg7[%mul3A_81] : memref<8192xi32, #tpu.memory_space<hbm>> -> memref<2048xi32, #tpu.memory_space<hbm>>
          %dma_start3A_83 = tpu.memref_slice %arg7[%mul3A_81] : memref<8192xi32, #tpu.memory_space<hbm>> -> memref<2048xi32, #tpu.memory_space<hbm>>
          tpu.enqueue_dma source(%dma_start3A_83 : memref<2048xi32, #tpu.memory_space<hbm>>) target(%arg12 : memref<2048xi32, #tpu.memory_space<vmem>>) target_semaphore(%run_scoped3A : memref<!tpu.dma_semaphore, #tpu.memory_space<semaphore_mem>>)
          %dma_wait3A = tpu.memref_slice %arg7[%mul3A_81] : memref<8192xi32, #tpu.memory_space<hbm>> -> memref<2048xi32, #tpu.memory_space<hbm>>
          %dma_wait3A_84 = tpu.memref_slice %arg7[%mul3A_81] : memref<8192xi32, #tpu.memory_space<hbm>> -> memref<2048xi32, #tpu.memory_space<hbm>>
          tpu.wait_dma2 semaphore(%run_scoped3A : memref<!tpu.dma_semaphore, #tpu.memory_space<semaphore_mem>>) src(%dma_wait3A_84 : memref<2048xi32, #tpu.memory_space<hbm>>) dst(%arg12 : memref<2048xi32, #tpu.memory_space<vmem>>)
          tpu.yield
        }) : () -> ()
        "tpu.region"() ({
          %run_scoped3A = tpu.sem_alloc : memref<!tpu.dma_semaphore, #tpu.memory_space<semaphore_mem>>
          %dma_start3A_82 = tpu.memref_slice %arg8[%mul3A_81] : memref<8192xf32, #tpu.memory_space<hbm>> -> memref<2048xf32, #tpu.memory_space<hbm>>
          %dma_start3A_83 = tpu.memref_slice %arg8[%mul3A_81] : memref<8192xf32, #tpu.memory_space<hbm>> -> memref<2048xf32, #tpu.memory_space<hbm>>
          tpu.enqueue_dma source(%dma_start3A_83 : memref<2048xf32, #tpu.memory_space<hbm>>) target(%arg13 : memref<2048xf32, #tpu.memory_space<vmem>>) target_semaphore(%run_scoped3A : memref<!tpu.dma_semaphore, #tpu.memory_space<semaphore_mem>>)
          %dma_wait3A = tpu.memref_slice %arg8[%mul3A_81] : memref<8192xf32, #tpu.memory_space<hbm>> -> memref<2048xf32, #tpu.memory_space<hbm>>
          %dma_wait3A_84 = tpu.memref_slice %arg8[%mul3A_81] : memref<8192xf32, #tpu.memory_space<hbm>> -> memref<2048xf32, #tpu.memory_space<hbm>>
          tpu.wait_dma2 semaphore(%run_scoped3A : memref<!tpu.dma_semaphore, #tpu.memory_space<semaphore_mem>>) src(%dma_wait3A_84 : memref<2048xf32, #tpu.memory_space<hbm>>) dst(%arg13 : memref<2048xf32, #tpu.memory_space<vmem>>)
          tpu.yield
        }) : () -> ()
      } else {
      }
      %dma_start3A = arith.constant 0 : i32
      %dma_start3A_54 = tpu.memref_slice %arg11[%dma_start3A] : memref<2048xi32, #tpu.memory_space<vmem>> -> memref<64xi32, #tpu.memory_space<vmem>>
      %dma_start3A_55 = arith.constant 0 : i32
      %dma_start3A_56 = arith.constant 0 : i32
      %dma_start3A_57 = tpu.memref_slice %arg2[%dma_start3A_55, %dma_start3A_56] : memref<10000x128xf32, #tpu.memory_space<hbm>> -> memref<10000x128xf32, #tpu.memory_space<hbm>>
      tpu.enqueue_indirect_dma source(%dma_start3A_57 : memref<10000x128xf32, #tpu.memory_space<hbm>>) target(%arg14 : memref<64x128xf32, #tpu.memory_space<vmem>>) offsets(%dma_start3A_54 : memref<64xi32, #tpu.memory_space<vmem>>) semaphore(%arg20 : memref<!tpu.dma_semaphore, #tpu.memory_space<semaphore_mem>>)
      %dma_start3A_58 = arith.constant 64 : i32
      %dma_start3A_59 = tpu.memref_slice %arg11[%dma_start3A_58] : memref<2048xi32, #tpu.memory_space<vmem>> -> memref<64xi32, #tpu.memory_space<vmem>>
      %dma_start3A_60 = arith.constant 0 : i32
      %dma_start3A_61 = arith.constant 0 : i32
      %dma_start3A_62 = tpu.memref_slice %arg2[%dma_start3A_60, %dma_start3A_61] : memref<10000x128xf32, #tpu.memory_space<hbm>> -> memref<10000x128xf32, #tpu.memory_space<hbm>>
      tpu.enqueue_indirect_dma source(%dma_start3A_62 : memref<10000x128xf32, #tpu.memory_space<hbm>>) target(%arg15 : memref<64x128xf32, #tpu.memory_space<vmem>>) offsets(%dma_start3A_59 : memref<64xi32, #tpu.memory_space<vmem>>) semaphore(%arg21 : memref<!tpu.dma_semaphore, #tpu.memory_space<semaphore_mem>>)
      %dma_start3A_63 = arith.constant 128 : i32
      %dma_start3A_64 = tpu.memref_slice %arg11[%dma_start3A_63] : memref<2048xi32, #tpu.memory_space<vmem>> -> memref<64xi32, #tpu.memory_space<vmem>>
      %dma_start3A_65 = arith.constant 0 : i32
      %dma_start3A_66 = arith.constant 0 : i32
      %dma_start3A_67 = tpu.memref_slice %arg2[%dma_start3A_65, %dma_start3A_66] : memref<10000x128xf32, #tpu.memory_space<hbm>> -> memref<10000x128xf32, #tpu.memory_space<hbm>>
      tpu.enqueue_indirect_dma source(%dma_start3A_67 : memref<10000x128xf32, #tpu.memory_space<hbm>>) target(%arg16 : memref<64x128xf32, #tpu.memory_space<vmem>>) offsets(%dma_start3A_64 : memref<64xi32, #tpu.memory_space<vmem>>) semaphore(%arg22 : memref<!tpu.dma_semaphore, #tpu.memory_space<semaphore_mem>>)
      %dma_start3A_68 = arith.constant 192 : i32
      %dma_start3A_69 = tpu.memref_slice %arg11[%dma_start3A_68] : memref<2048xi32, #tpu.memory_space<vmem>> -> memref<64xi32, #tpu.memory_space<vmem>>
      %dma_start3A_70 = arith.constant 0 : i32
      %dma_start3A_71 = arith.constant 0 : i32
      %dma_start3A_72 = tpu.memref_slice %arg2[%dma_start3A_70, %dma_start3A_71] : memref<10000x128xf32, #tpu.memory_space<hbm>> -> memref<10000x128xf32, #tpu.memory_space<hbm>>
      tpu.enqueue_indirect_dma source(%dma_start3A_72 : memref<10000x128xf32, #tpu.memory_space<hbm>>) target(%arg17 : memref<64x128xf32, #tpu.memory_space<vmem>>) offsets(%dma_start3A_69 : memref<64xi32, #tpu.memory_space<vmem>>) semaphore(%arg23 : memref<!tpu.dma_semaphore, #tpu.memory_space<semaphore_mem>>)
      "tpu.trace_stop"() : () -> ()
      "tpu.trace_start"() <{level = 10 : i32, message = "sc_mainloop"}> : () -> ()
      %scan3A_73 = arith.constant 0 : i32
      %scan3A_74 = arith.constant 8 : i32
      %scan3A_75 = arith.addi %scan3A_73, %scan3A_74 : i32
      %scan3A_76 = arith.constant 1 : i32
      scf.for %scan3A_78 = %scan3A_73 to %scan3A_75 step %scan3A_76  : i32 {
        %mul3A_79 = arith.constant 4 : i32
        %mul3A_80 = arith.muli %scan3A_78, %mul3A_79 : i32
        %add3A_81 = arith.constant 0 : i32
        %add3A_82 = arith.addi %add3A_81, %mul3A_80 : i32
        %add3A_83 = arith.constant 0 : i32
        %add3A_84 = arith.addi %add3A_82, %add3A_83 : i32
        %mul3A_85 = arith.constant 64 : i32
        %mul3A_86 = arith.muli %add3A_84, %mul3A_85 : i32
        %dma_wait3A = tpu.memref_slice %arg11[%mul3A_86] : memref<2048xi32, #tpu.memory_space<vmem>> -> memref<64xi32, #tpu.memory_space<vmem>>
        %dma_wait3A_87 = arith.constant 0 : i32
        %dma_wait3A_88 = arith.constant 0 : i32
        %dma_wait3A_89 = tpu.memref_slice %arg2[%dma_wait3A_87, %dma_wait3A_88] : memref<10000x128xf32, #tpu.memory_space<hbm>> -> memref<10000x128xf32, #tpu.memory_space<hbm>>
        tpu.wait_indirect_dma semaphore(%arg20 : memref<!tpu.dma_semaphore, #tpu.memory_space<semaphore_mem>>) src(%dma_wait3A_89 : memref<10000x128xf32, #tpu.memory_space<hbm>>) dst(%arg14 : memref<64x128xf32, #tpu.memory_space<vmem>>)
        %scan3A_90 = arith.constant 0 : i32
        %scan3A_91 = arith.constant 64 : i32
        %scan3A_92 = arith.addi %scan3A_90, %scan3A_91 : i32
        %scan3A_93 = arith.constant 1 : i32
        scf.for %scan3A_265 = %scan3A_90 to %scan3A_92 step %scan3A_93  : i32 {
          %mul3A_266 = arith.constant 1 : i32
          %mul3A_267 = arith.muli %scan3A_265, %mul3A_266 : i32
          %add3A_268 = arith.constant 0 : i32
          %add3A_269 = arith.addi %add3A_268, %mul3A_267 : i32
          %broadcast_in_dim3A_270 = arith.constant 0 : i32
          %broadcast_in_dim3A_271 = vector.broadcast %broadcast_in_dim3A_270 : i32 to vector<16xi32>
          %add3A_272 = arith.addi %mul3A_86, %add3A_269 : i32
          %add3A_273 = vector.broadcast %add3A_272 : i32 to vector<16xi32>
          %add3A_274 = arith.addi %broadcast_in_dim3A_271, %add3A_273 : vector<16xi32>
          %gather3A = tpu.vector_load_idx %arg13[%add3A_274] : memref<2048xf32, #tpu.memory_space<vmem>>[vector<16xi32>], vector<16xf32>,
          %get3A_275 = arith.index_cast %add3A_269 : i32 to index
          %get3A_276 = arith.constant 0 : index
          %get3A_277 = tpu.vector_load %arg14[%get3A_275, %get3A_276] {strides = array<i32>} : memref<64x128xf32, #tpu.memory_space<vmem>>, vector<16xf32>,
          %mul3A_278 = arith.mulf %get3A_277, %gather3A : vector<16xf32>
          %swap3A = arith.index_cast %add3A_269 : i32 to index
          %swap3A_279 = arith.constant 0 : index
          %swap3A_280 = tpu.vector_load %arg14[%swap3A, %swap3A_279] {strides = array<i32>} : memref<64x128xf32, #tpu.memory_space<vmem>>, vector<16xf32>,
          tpu.vector_store %arg14[%swap3A, %swap3A_279], %mul3A_278 {strides = array<i32>} : memref<64x128xf32, #tpu.memory_space<vmem>>, vector<16xf32>,
          %get3A_281 = arith.index_cast %add3A_269 : i32 to index
          %get3A_282 = arith.constant 16 : index
          %get3A_283 = tpu.vector_load %arg14[%get3A_281, %get3A_282] {strides = array<i32>} : memref<64x128xf32, #tpu.memory_space<vmem>>, vector<16xf32>,
          %mul3A_284 = arith.mulf %get3A_283, %gather3A : vector<16xf32>
          %swap3A_285 = arith.index_cast %add3A_269 : i32 to index
          %swap3A_286 = arith.constant 16 : index
          %swap3A_287 = tpu.vector_load %arg14[%swap3A_285, %swap3A_286] {strides = array<i32>} : memref<64x128xf32, #tpu.memory_space<vmem>>, vector<16xf32>,
          tpu.vector_store %arg14[%swap3A_285, %swap3A_286], %mul3A_284 {strides = array<i32>} : memref<64x128xf32, #tpu.memory_space<vmem>>, vector<16xf32>,
          %get3A_288 = arith.index_cast %add3A_269 : i32 to index
          %get3A_289 = arith.constant 32 : index
          %get3A_290 = tpu.vector_load %arg14[%get3A_288, %get3A_289] {strides = array<i32>} : memref<64x128xf32, #tpu.memory_space<vmem>>, vector<16xf32>,
          %mul3A_291 = arith.mulf %get3A_290, %gather3A : vector<16xf32>
          %swap3A_292 = arith.index_cast %add3A_269 : i32 to index
          %swap3A_293 = arith.constant 32 : index
          %swap3A_294 = tpu.vector_load %arg14[%swap3A_292, %swap3A_293] {strides = array<i32>} : memref<64x128xf32, #tpu.memory_space<vmem>>, vector<16xf32>,
          tpu.vector_store %arg14[%swap3A_292, %swap3A_293], %mul3A_291 {strides = array<i32>} : memref<64x128xf32, #tpu.memory_space<vmem>>, vector<16xf32>,
          %get3A_295 = arith.index_cast %add3A_269 : i32 to index
          %get3A_296 = arith.constant 48 : index
          %get3A_297 = tpu.vector_load %arg14[%get3A_295, %get3A_296] {strides = array<i32>} : memref<64x128xf32, #tpu.memory_space<vmem>>, vector<16xf32>,
          %mul3A_298 = arith.mulf %get3A_297, %gather3A : vector<16xf32>
          %swap3A_299 = arith.index_cast %add3A_269 : i32 to index
          %swap3A_300 = arith.constant 48 : index
          %swap3A_301 = tpu.vector_load %arg14[%swap3A_299, %swap3A_300] {strides = array<i32>} : memref<64x128xf32, #tpu.memory_space<vmem>>, vector<16xf32>,
          tpu.vector_store %arg14[%swap3A_299, %swap3A_300], %mul3A_298 {strides = array<i32>} : memref<64x128xf32, #tpu.memory_space<vmem>>, vector<16xf32>,
          %get3A_302 = arith.index_cast %add3A_269 : i32 to index
          %get3A_303 = arith.constant 64 : index
          %get3A_304 = tpu.vector_load %arg14[%get3A_302, %get3A_303] {strides = array<i32>} : memref<64x128xf32, #tpu.memory_space<vmem>>, vector<16xf32>,
          %mul3A_305 = arith.mulf %get3A_304, %gather3A : vector<16xf32>
          %swap3A_306 = arith.index_cast %add3A_269 : i32 to index
          %swap3A_307 = arith.constant 64 : index
          %swap3A_308 = tpu.vector_load %arg14[%swap3A_306, %swap3A_307] {strides = array<i32>} : memref<64x128xf32, #tpu.memory_space<vmem>>, vector<16xf32>,
          tpu.vector_store %arg14[%swap3A_306, %swap3A_307], %mul3A_305 {strides = array<i32>} : memref<64x128xf32, #tpu.memory_space<vmem>>, vector<16xf32>,
          %get3A_309 = arith.index_cast %add3A_269 : i32 to index
          %get3A_310 = arith.constant 80 : index
          %get3A_311 = tpu.vector_load %arg14[%get3A_309, %get3A_310] {strides = array<i32>} : memref<64x128xf32, #tpu.memory_space<vmem>>, vector<16xf32>,
          %mul3A_312 = arith.mulf %get3A_311, %gather3A : vector<16xf32>
          %swap3A_313 = arith.index_cast %add3A_269 : i32 to index
          %swap3A_314 = arith.constant 80 : index
          %swap3A_315 = tpu.vector_load %arg14[%swap3A_313, %swap3A_314] {strides = array<i32>} : memref<64x128xf32, #tpu.memory_space<vmem>>, vector<16xf32>,
          tpu.vector_store %arg14[%swap3A_313, %swap3A_314], %mul3A_312 {strides = array<i32>} : memref<64x128xf32, #tpu.memory_space<vmem>>, vector<16xf32>,
          %get3A_316 = arith.index_cast %add3A_269 : i32 to index
          %get3A_317 = arith.constant 96 : index
          %get3A_318 = tpu.vector_load %arg14[%get3A_316, %get3A_317] {strides = array<i32>} : memref<64x128xf32, #tpu.memory_space<vmem>>, vector<16xf32>,
          %mul3A_319 = arith.mulf %get3A_318, %gather3A : vector<16xf32>
          %swap3A_320 = arith.index_cast %add3A_269 : i32 to index
          %swap3A_321 = arith.constant 96 : index
          %swap3A_322 = tpu.vector_load %arg14[%swap3A_320, %swap3A_321] {strides = array<i32>} : memref<64x128xf32, #tpu.memory_space<vmem>>, vector<16xf32>,
          tpu.vector_store %arg14[%swap3A_320, %swap3A_321], %mul3A_319 {strides = array<i32>} : memref<64x128xf32, #tpu.memory_space<vmem>>, vector<16xf32>,
          %get3A_323 = arith.index_cast %add3A_269 : i32 to index
          %get3A_324 = arith.constant 112 : index
          %get3A_325 = tpu.vector_load %arg14[%get3A_323, %get3A_324] {strides = array<i32>} : memref<64x128xf32, #tpu.memory_space<vmem>>, vector<16xf32>,
          %mul3A_326 = arith.mulf %get3A_325, %gather3A : vector<16xf32>
          %swap3A_327 = arith.index_cast %add3A_269 : i32 to index
          %swap3A_328 = arith.constant 112 : index
          %swap3A_329 = tpu.vector_load %arg14[%swap3A_327, %swap3A_328] {strides = array<i32>} : memref<64x128xf32, #tpu.memory_space<vmem>>, vector<16xf32>,
          tpu.vector_store %arg14[%swap3A_327, %swap3A_328], %mul3A_326 {strides = array<i32>} : memref<64x128xf32, #tpu.memory_space<vmem>>, vector<16xf32>,
        }
        %scan3A_94 = arith.constant 64 : i32
        %dma_start3A_95 = tpu.memref_slice %arg12[%mul3A_86] : memref<2048xi32, #tpu.memory_space<vmem>> -> memref<64xi32, #tpu.memory_space<vmem>>
        %dma_start3A_96 = arith.constant 0 : i32
        %dma_start3A_97 = arith.constant 0 : i32
        %dma_start3A_98 = tpu.memref_slice %arg19[%dma_start3A_96, %dma_start3A_97] : memref<10112x128xf32, #tpu.memory_space<vmem_shared>> -> memref<10112x128xf32, #tpu.memory_space<vmem_shared>>
        tpu.enqueue_indirect_dma source(%arg14 : memref<64x128xf32, #tpu.memory_space<vmem>>) target(%dma_start3A_98 : memref<10112x128xf32, #tpu.memory_space<vmem_shared>>) offsets(%dma_start3A_95 : memref<64xi32, #tpu.memory_space<vmem>>) semaphore(%arg24 : memref<!tpu.dma_semaphore, #tpu.memory_space<semaphore_mem>>) {add = true}
        %broadcast_in_dim3A_99 = arith.constant 1.000000e+00 : f32
        %broadcast_in_dim3A_100 = vector.broadcast %broadcast_in_dim3A_99 : f32 to vector<16xf32>
        %add3A_101 = arith.constant 0 : i32
        %add3A_102 = arith.addi %mul3A_86, %add3A_101 : i32
        %get3A = arith.index_cast %add3A_102 : i32 to index
        %get3A_103 = tpu.vector_load %arg12[%get3A] {strides = array<i32>} : memref<2048xi32, #tpu.memory_space<vmem>>, vector<16xi32>,
        tpu.vector_store_idx %arg18[%get3A_103], %broadcast_in_dim3A_100 {add = true} : memref<10112xf32, #tpu.memory_space<vmem>>[vector<16xi32>], vector<16xf32>,
        %add3A_104 = arith.constant 16 : i32
        %add3A_105 = arith.addi %mul3A_86, %add3A_104 : i32
        %get3A_106 = arith.index_cast %add3A_105 : i32 to index
        %get3A_107 = tpu.vector_load %arg12[%get3A_106] {strides = array<i32>} : memref<2048xi32, #tpu.memory_space<vmem>>, vector<16xi32>,
        tpu.vector_store_idx %arg18[%get3A_107], %broadcast_in_dim3A_100 {add = true} : memref<10112xf32, #tpu.memory_space<vmem>>[vector<16xi32>], vector<16xf32>,
        %add3A_108 = arith.constant 32 : i32
        %add3A_109 = arith.addi %mul3A_86, %add3A_108 : i32
        %get3A_110 = arith.index_cast %add3A_109 : i32 to index
        %get3A_111 = tpu.vector_load %arg12[%get3A_110] {strides = array<i32>} : memref<2048xi32, #tpu.memory_space<vmem>>, vector<16xi32>,
        tpu.vector_store_idx %arg18[%get3A_111], %broadcast_in_dim3A_100 {add = true} : memref<10112xf32, #tpu.memory_space<vmem>>[vector<16xi32>], vector<16xf32>,
        %add3A_112 = arith.constant 48 : i32
        %add3A_113 = arith.addi %mul3A_86, %add3A_112 : i32
        %get3A_114 = arith.index_cast %add3A_113 : i32 to index
        %get3A_115 = tpu.vector_load %arg12[%get3A_114] {strides = array<i32>} : memref<2048xi32, #tpu.memory_space<vmem>>, vector<16xi32>,
        tpu.vector_store_idx %arg18[%get3A_115], %broadcast_in_dim3A_100 {add = true} : memref<10112xf32, #tpu.memory_space<vmem>>[vector<16xi32>], vector<16xf32>,
        %dma_wait3A_116 = tpu.memref_slice %arg12[%mul3A_86] : memref<2048xi32, #tpu.memory_space<vmem>> -> memref<64xi32, #tpu.memory_space<vmem>>
        %dma_wait3A_117 = arith.constant 0 : i32
        %dma_wait3A_118 = arith.constant 0 : i32
        %dma_wait3A_119 = tpu.memref_slice %arg19[%dma_wait3A_117, %dma_wait3A_118] : memref<10112x128xf32, #tpu.memory_space<vmem_shared>> -> memref<10112x128xf32, #tpu.memory_space<vmem_shared>>
        tpu.wait_indirect_dma semaphore(%arg24 : memref<!tpu.dma_semaphore, #tpu.memory_space<semaphore_mem>>) src(%arg14 : memref<64x128xf32, #tpu.memory_space<vmem>>) dst(%dma_wait3A_119 : memref<10112x128xf32, #tpu.memory_space<vmem_shared>>)
        %add3A_120 = arith.constant 4 : i32
        %add3A_121 = arith.addi %add3A_84, %add3A_120 : i32
        %lt3A_122 = arith.constant 32 : i32
        %lt3A_123 = arith.cmpi slt, %add3A_121, %lt3A_122 : i32
        %convert_element_type3A_124 = arith.extui %lt3A_123 : i1 to i32
        %cond3A_125 = arith.constant 0 : i32
        %cond3A_126 = arith.cmpi ne, %convert_element_type3A_124, %cond3A_125 : i32
        scf.if %cond3A_126 {
          %add3A_265 = arith.constant 4 : i32
          %add3A_266 = arith.addi %add3A_84, %add3A_265 : i32
          %mul3A_267 = arith.constant 64 : i32
          %mul3A_268 = arith.muli %add3A_266, %mul3A_267 : i32
          %dma_start3A_269 = tpu.memref_slice %arg11[%mul3A_268] : memref<2048xi32, #tpu.memory_space<vmem>> -> memref<64xi32, #tpu.memory_space<vmem>>
          %dma_start3A_270 = arith.constant 0 : i32
          %dma_start3A_271 = arith.constant 0 : i32
          %dma_start3A_272 = tpu.memref_slice %arg2[%dma_start3A_270, %dma_start3A_271] : memref<10000x128xf32, #tpu.memory_space<hbm>> -> memref<10000x128xf32, #tpu.memory_space<hbm>>
          tpu.enqueue_indirect_dma source(%dma_start3A_272 : memref<10000x128xf32, #tpu.memory_space<hbm>>) target(%arg14 : memref<64x128xf32, #tpu.memory_space<vmem>>) offsets(%dma_start3A_269 : memref<64xi32, #tpu.memory_space<vmem>>) semaphore(%arg20 : memref<!tpu.dma_semaphore, #tpu.memory_space<semaphore_mem>>)
        } else {
        }
        %add3A_127 = arith.constant 1 : i32
        %add3A_128 = arith.addi %add3A_82, %add3A_127 : i32
        %mul3A_129 = arith.constant 64 : i32
        %mul3A_130 = arith.muli %add3A_128, %mul3A_129 : i32
        %dma_wait3A_131 = tpu.memref_slice %arg11[%mul3A_130] : memref<2048xi32, #tpu.memory_space<vmem>> -> memref<64xi32, #tpu.memory_space<vmem>>
        %dma_wait3A_132 = arith.constant 0 : i32
        %dma_wait3A_133 = arith.constant 0 : i32
        %dma_wait3A_134 = tpu.memref_slice %arg2[%dma_wait3A_132, %dma_wait3A_133] : memref<10000x128xf32, #tpu.memory_space<hbm>> -> memref<10000x128xf32, #tpu.memory_space<hbm>>
        tpu.wait_indirect_dma semaphore(%arg21 : memref<!tpu.dma_semaphore, #tpu.memory_space<semaphore_mem>>) src(%dma_wait3A_134 : memref<10000x128xf32, #tpu.memory_space<hbm>>) dst(%arg15 : memref<64x128xf32, #tpu.memory_space<vmem>>)
        %scan3A_135 = arith.constant 0 : i32
        %scan3A_136 = arith.constant 64 : i32
        %scan3A_137 = arith.addi %scan3A_135, %scan3A_136 : i32
        %scan3A_138 = arith.constant 1 : i32
        scf.for %scan3A_265 = %scan3A_135 to %scan3A_137 step %scan3A_138  : i32 {
          %mul3A_266 = arith.constant 1 : i32
          %mul3A_267 = arith.muli %scan3A_265, %mul3A_266 : i32
          %add3A_268 = arith.constant 0 : i32
          %add3A_269 = arith.addi %add3A_268, %mul3A_267 : i32
          %broadcast_in_dim3A_270 = arith.constant 0 : i32
          %broadcast_in_dim3A_271 = vector.broadcast %broadcast_in_dim3A_270 : i32 to vector<16xi32>
          %add3A_272 = arith.addi %mul3A_130, %add3A_269 : i32
          %add3A_273 = vector.broadcast %add3A_272 : i32 to vector<16xi32>
          %add3A_274 = arith.addi %broadcast_in_dim3A_271, %add3A_273 : vector<16xi32>
          %gather3A = tpu.vector_load_idx %arg13[%add3A_274] : memref<2048xf32, #tpu.memory_space<vmem>>[vector<16xi32>], vector<16xf32>,
          %get3A_275 = arith.index_cast %add3A_269 : i32 to index
          %get3A_276 = arith.constant 0 : index
          %get3A_277 = tpu.vector_load %arg15[%get3A_275, %get3A_276] {strides = array<i32>} : memref<64x128xf32, #tpu.memory_space<vmem>>, vector<16xf32>,
          %mul3A_278 = arith.mulf %get3A_277, %gather3A : vector<16xf32>
          %swap3A = arith.index_cast %add3A_269 : i32 to index
          %swap3A_279 = arith.constant 0 : index
          %swap3A_280 = tpu.vector_load %arg15[%swap3A, %swap3A_279] {strides = array<i32>} : memref<64x128xf32, #tpu.memory_space<vmem>>, vector<16xf32>,
          tpu.vector_store %arg15[%swap3A, %swap3A_279], %mul3A_278 {strides = array<i32>} : memref<64x128xf32, #tpu.memory_space<vmem>>, vector<16xf32>,
          %get3A_281 = arith.index_cast %add3A_269 : i32 to index
          %get3A_282 = arith.constant 16 : index
          %get3A_283 = tpu.vector_load %arg15[%get3A_281, %get3A_282] {strides = array<i32>} : memref<64x128xf32, #tpu.memory_space<vmem>>, vector<16xf32>,
          %mul3A_284 = arith.mulf %get3A_283, %gather3A : vector<16xf32>
          %swap3A_285 = arith.index_cast %add3A_269 : i32 to index
          %swap3A_286 = arith.constant 16 : index
          %swap3A_287 = tpu.vector_load %arg15[%swap3A_285, %swap3A_286] {strides = array<i32>} : memref<64x128xf32, #tpu.memory_space<vmem>>, vector<16xf32>,
          tpu.vector_store %arg15[%swap3A_285, %swap3A_286], %mul3A_284 {strides = array<i32>} : memref<64x128xf32, #tpu.memory_space<vmem>>, vector<16xf32>,
          %get3A_288 = arith.index_cast %add3A_269 : i32 to index
          %get3A_289 = arith.constant 32 : index
          %get3A_290 = tpu.vector_load %arg15[%get3A_288, %get3A_289] {strides = array<i32>} : memref<64x128xf32, #tpu.memory_space<vmem>>, vector<16xf32>,
          %mul3A_291 = arith.mulf %get3A_290, %gather3A : vector<16xf32>
          %swap3A_292 = arith.index_cast %add3A_269 : i32 to index
          %swap3A_293 = arith.constant 32 : index
          %swap3A_294 = tpu.vector_load %arg15[%swap3A_292, %swap3A_293] {strides = array<i32>} : memref<64x128xf32, #tpu.memory_space<vmem>>, vector<16xf32>,
          tpu.vector_store %arg15[%swap3A_292, %swap3A_293], %mul3A_291 {strides = array<i32>} : memref<64x128xf32, #tpu.memory_space<vmem>>, vector<16xf32>,
          %get3A_295 = arith.index_cast %add3A_269 : i32 to index
          %get3A_296 = arith.constant 48 : index
          %get3A_297 = tpu.vector_load %arg15[%get3A_295, %get3A_296] {strides = array<i32>} : memref<64x128xf32, #tpu.memory_space<vmem>>, vector<16xf32>,
          %mul3A_298 = arith.mulf %get3A_297, %gather3A : vector<16xf32>
          %swap3A_299 = arith.index_cast %add3A_269 : i32 to index
          %swap3A_300 = arith.constant 48 : index
          %swap3A_301 = tpu.vector_load %arg15[%swap3A_299, %swap3A_300] {strides = array<i32>} : memref<64x128xf32, #tpu.memory_space<vmem>>, vector<16xf32>,
          tpu.vector_store %arg15[%swap3A_299, %swap3A_300], %mul3A_298 {strides = array<i32>} : memref<64x128xf32, #tpu.memory_space<vmem>>, vector<16xf32>,
          %get3A_302 = arith.index_cast %add3A_269 : i32 to index
          %get3A_303 = arith.constant 64 : index
          %get3A_304 = tpu.vector_load %arg15[%get3A_302, %get3A_303] {strides = array<i32>} : memref<64x128xf32, #tpu.memory_space<vmem>>, vector<16xf32>,
          %mul3A_305 = arith.mulf %get3A_304, %gather3A : vector<16xf32>
          %swap3A_306 = arith.index_cast %add3A_269 : i32 to index
          %swap3A_307 = arith.constant 64 : index
          %swap3A_308 = tpu.vector_load %arg15[%swap3A_306, %swap3A_307] {strides = array<i32>} : memref<64x128xf32, #tpu.memory_space<vmem>>, vector<16xf32>,
          tpu.vector_store %arg15[%swap3A_306, %swap3A_307], %mul3A_305 {strides = array<i32>} : memref<64x128xf32, #tpu.memory_space<vmem>>, vector<16xf32>,
          %get3A_309 = arith.index_cast %add3A_269 : i32 to index
          %get3A_310 = arith.constant 80 : index
          %get3A_311 = tpu.vector_load %arg15[%get3A_309, %get3A_310] {strides = array<i32>} : memref<64x128xf32, #tpu.memory_space<vmem>>, vector<16xf32>,
          %mul3A_312 = arith.mulf %get3A_311, %gather3A : vector<16xf32>
          %swap3A_313 = arith.index_cast %add3A_269 : i32 to index
          %swap3A_314 = arith.constant 80 : index
          %swap3A_315 = tpu.vector_load %arg15[%swap3A_313, %swap3A_314] {strides = array<i32>} : memref<64x128xf32, #tpu.memory_space<vmem>>, vector<16xf32>,
          tpu.vector_store %arg15[%swap3A_313, %swap3A_314], %mul3A_312 {strides = array<i32>} : memref<64x128xf32, #tpu.memory_space<vmem>>, vector<16xf32>,
          %get3A_316 = arith.index_cast %add3A_269 : i32 to index
          %get3A_317 = arith.constant 96 : index
          %get3A_318 = tpu.vector_load %arg15[%get3A_316, %get3A_317] {strides = array<i32>} : memref<64x128xf32, #tpu.memory_space<vmem>>, vector<16xf32>,
          %mul3A_319 = arith.mulf %get3A_318, %gather3A : vector<16xf32>
          %swap3A_320 = arith.index_cast %add3A_269 : i32 to index
          %swap3A_321 = arith.constant 96 : index
          %swap3A_322 = tpu.vector_load %arg15[%swap3A_320, %swap3A_321] {strides = array<i32>} : memref<64x128xf32, #tpu.memory_space<vmem>>, vector<16xf32>,
          tpu.vector_store %arg15[%swap3A_320, %swap3A_321], %mul3A_319 {strides = array<i32>} : memref<64x128xf32, #tpu.memory_space<vmem>>, vector<16xf32>,
          %get3A_323 = arith.index_cast %add3A_269 : i32 to index
          %get3A_324 = arith.constant 112 : index
          %get3A_325 = tpu.vector_load %arg15[%get3A_323, %get3A_324] {strides = array<i32>} : memref<64x128xf32, #tpu.memory_space<vmem>>, vector<16xf32>,
          %mul3A_326 = arith.mulf %get3A_325, %gather3A : vector<16xf32>
          %swap3A_327 = arith.index_cast %add3A_269 : i32 to index
          %swap3A_328 = arith.constant 112 : index
          %swap3A_329 = tpu.vector_load %arg15[%swap3A_327, %swap3A_328] {strides = array<i32>} : memref<64x128xf32, #tpu.memory_space<vmem>>, vector<16xf32>,
          tpu.vector_store %arg15[%swap3A_327, %swap3A_328], %mul3A_326 {strides = array<i32>} : memref<64x128xf32, #tpu.memory_space<vmem>>, vector<16xf32>,
        }
        %scan3A_139 = arith.constant 64 : i32
        %dma_start3A_140 = tpu.memref_slice %arg12[%mul3A_130] : memref<2048xi32, #tpu.memory_space<vmem>> -> memref<64xi32, #tpu.memory_space<vmem>>
        %dma_start3A_141 = arith.constant 0 : i32
        %dma_start3A_142 = arith.constant 0 : i32
        %dma_start3A_143 = tpu.memref_slice %arg19[%dma_start3A_141, %dma_start3A_142] : memref<10112x128xf32, #tpu.memory_space<vmem_shared>> -> memref<10112x128xf32, #tpu.memory_space<vmem_shared>>
        tpu.enqueue_indirect_dma source(%arg15 : memref<64x128xf32, #tpu.memory_space<vmem>>) target(%dma_start3A_143 : memref<10112x128xf32, #tpu.memory_space<vmem_shared>>) offsets(%dma_start3A_140 : memref<64xi32, #tpu.memory_space<vmem>>) semaphore(%arg25 : memref<!tpu.dma_semaphore, #tpu.memory_space<semaphore_mem>>) {add = true}
        %broadcast_in_dim3A_144 = arith.constant 1.000000e+00 : f32
        %broadcast_in_dim3A_145 = vector.broadcast %broadcast_in_dim3A_144 : f32 to vector<16xf32>
        %add3A_146 = arith.constant 0 : i32
        %add3A_147 = arith.addi %mul3A_130, %add3A_146 : i32
        %get3A_148 = arith.index_cast %add3A_147 : i32 to index
        %get3A_149 = tpu.vector_load %arg12[%get3A_148] {strides = array<i32>} : memref<2048xi32, #tpu.memory_space<vmem>>, vector<16xi32>,
        tpu.vector_store_idx %arg18[%get3A_149], %broadcast_in_dim3A_145 {add = true} : memref<10112xf32, #tpu.memory_space<vmem>>[vector<16xi32>], vector<16xf32>,
        %add3A_150 = arith.constant 16 : i32
        %add3A_151 = arith.addi %mul3A_130, %add3A_150 : i32
        %get3A_152 = arith.index_cast %add3A_151 : i32 to index
        %get3A_153 = tpu.vector_load %arg12[%get3A_152] {strides = array<i32>} : memref<2048xi32, #tpu.memory_space<vmem>>, vector<16xi32>,
        tpu.vector_store_idx %arg18[%get3A_153], %broadcast_in_dim3A_145 {add = true} : memref<10112xf32, #tpu.memory_space<vmem>>[vector<16xi32>], vector<16xf32>,
        %add3A_154 = arith.constant 32 : i32
        %add3A_155 = arith.addi %mul3A_130, %add3A_154 : i32
        %get3A_156 = arith.index_cast %add3A_155 : i32 to index
        %get3A_157 = tpu.vector_load %arg12[%get3A_156] {strides = array<i32>} : memref<2048xi32, #tpu.memory_space<vmem>>, vector<16xi32>,
        tpu.vector_store_idx %arg18[%get3A_157], %broadcast_in_dim3A_145 {add = true} : memref<10112xf32, #tpu.memory_space<vmem>>[vector<16xi32>], vector<16xf32>,
        %add3A_158 = arith.constant 48 : i32
        %add3A_159 = arith.addi %mul3A_130, %add3A_158 : i32
        %get3A_160 = arith.index_cast %add3A_159 : i32 to index
        %get3A_161 = tpu.vector_load %arg12[%get3A_160] {strides = array<i32>} : memref<2048xi32, #tpu.memory_space<vmem>>, vector<16xi32>,
        tpu.vector_store_idx %arg18[%get3A_161], %broadcast_in_dim3A_145 {add = true} : memref<10112xf32, #tpu.memory_space<vmem>>[vector<16xi32>], vector<16xf32>,
        %dma_wait3A_162 = tpu.memref_slice %arg12[%mul3A_130] : memref<2048xi32, #tpu.memory_space<vmem>> -> memref<64xi32, #tpu.memory_space<vmem>>
        %dma_wait3A_163 = arith.constant 0 : i32
        %dma_wait3A_164 = arith.constant 0 : i32
        %dma_wait3A_165 = tpu.memref_slice %arg19[%dma_wait3A_163, %dma_wait3A_164] : memref<10112x128xf32, #tpu.memory_space<vmem_shared>> -> memref<10112x128xf32, #tpu.memory_space<vmem_shared>>
        tpu.wait_indirect_dma semaphore(%arg25 : memref<!tpu.dma_semaphore, #tpu.memory_space<semaphore_mem>>) src(%arg15 : memref<64x128xf32, #tpu.memory_space<vmem>>) dst(%dma_wait3A_165 : memref<10112x128xf32, #tpu.memory_space<vmem_shared>>)
        %add3A_166 = arith.constant 4 : i32
        %add3A_167 = arith.addi %add3A_128, %add3A_166 : i32
        %lt3A_168 = arith.constant 32 : i32
        %lt3A_169 = arith.cmpi slt, %add3A_167, %lt3A_168 : i32
        %convert_element_type3A_170 = arith.extui %lt3A_169 : i1 to i32
        %cond3A_171 = arith.constant 0 : i32
        %cond3A_172 = arith.cmpi ne, %convert_element_type3A_170, %cond3A_171 : i32
        scf.if %cond3A_172 {
          %add3A_265 = arith.constant 4 : i32
          %add3A_266 = arith.addi %add3A_128, %add3A_265 : i32
          %mul3A_267 = arith.constant 64 : i32
          %mul3A_268 = arith.muli %add3A_266, %mul3A_267 : i32
          %dma_start3A_269 = tpu.memref_slice %arg11[%mul3A_268] : memref<2048xi32, #tpu.memory_space<vmem>> -> memref<64xi32, #tpu.memory_space<vmem>>
          %dma_start3A_270 = arith.constant 0 : i32
          %dma_start3A_271 = arith.constant 0 : i32
          %dma_start3A_272 = tpu.memref_slice %arg2[%dma_start3A_270, %dma_start3A_271] : memref<10000x128xf32, #tpu.memory_space<hbm>> -> memref<10000x128xf32, #tpu.memory_space<hbm>>
          tpu.enqueue_indirect_dma source(%dma_start3A_272 : memref<10000x128xf32, #tpu.memory_space<hbm>>) target(%arg15 : memref<64x128xf32, #tpu.memory_space<vmem>>) offsets(%dma_start3A_269 : memref<64xi32, #tpu.memory_space<vmem>>) semaphore(%arg21 : memref<!tpu.dma_semaphore, #tpu.memory_space<semaphore_mem>>)
        } else {
        }
        %add3A_173 = arith.constant 2 : i32
        %add3A_174 = arith.addi %add3A_82, %add3A_173 : i32
        %mul3A_175 = arith.constant 64 : i32
        %mul3A_176 = arith.muli %add3A_174, %mul3A_175 : i32
        %dma_wait3A_177 = tpu.memref_slice %arg11[%mul3A_176] : memref<2048xi32, #tpu.memory_space<vmem>> -> memref<64xi32, #tpu.memory_space<vmem>>
        %dma_wait3A_178 = arith.constant 0 : i32
        %dma_wait3A_179 = arith.constant 0 : i32
        %dma_wait3A_180 = tpu.memref_slice %arg2[%dma_wait3A_178, %dma_wait3A_179] : memref<10000x128xf32, #tpu.memory_space<hbm>> -> memref<10000x128xf32, #tpu.memory_space<hbm>>
        tpu.wait_indirect_dma semaphore(%arg22 : memref<!tpu.dma_semaphore, #tpu.memory_space<semaphore_mem>>) src(%dma_wait3A_180 : memref<10000x128xf32, #tpu.memory_space<hbm>>) dst(%arg16 : memref<64x128xf32, #tpu.memory_space<vmem>>)
        %scan3A_181 = arith.constant 0 : i32
        %scan3A_182 = arith.constant 64 : i32
        %scan3A_183 = arith.addi %scan3A_181, %scan3A_182 : i32
        %scan3A_184 = arith.constant 1 : i32
        scf.for %scan3A_265 = %scan3A_181 to %scan3A_183 step %scan3A_184  : i32 {
          %mul3A_266 = arith.constant 1 : i32
          %mul3A_267 = arith.muli %scan3A_265, %mul3A_266 : i32
          %add3A_268 = arith.constant 0 : i32
          %add3A_269 = arith.addi %add3A_268, %mul3A_267 : i32
          %broadcast_in_dim3A_270 = arith.constant 0 : i32
          %broadcast_in_dim3A_271 = vector.broadcast %broadcast_in_dim3A_270 : i32 to vector<16xi32>
          %add3A_272 = arith.addi %mul3A_176, %add3A_269 : i32
          %add3A_273 = vector.broadcast %add3A_272 : i32 to vector<16xi32>
          %add3A_274 = arith.addi %broadcast_in_dim3A_271, %add3A_273 : vector<16xi32>
          %gather3A = tpu.vector_load_idx %arg13[%add3A_274] : memref<2048xf32, #tpu.memory_space<vmem>>[vector<16xi32>], vector<16xf32>,
          %get3A_275 = arith.index_cast %add3A_269 : i32 to index
          %get3A_276 = arith.constant 0 : index
          %get3A_277 = tpu.vector_load %arg16[%get3A_275, %get3A_276] {strides = array<i32>} : memref<64x128xf32, #tpu.memory_space<vmem>>, vector<16xf32>,
          %mul3A_278 = arith.mulf %get3A_277, %gather3A : vector<16xf32>
          %swap3A = arith.index_cast %add3A_269 : i32 to index
          %swap3A_279 = arith.constant 0 : index
          %swap3A_280 = tpu.vector_load %arg16[%swap3A, %swap3A_279] {strides = array<i32>} : memref<64x128xf32, #tpu.memory_space<vmem>>, vector<16xf32>,
          tpu.vector_store %arg16[%swap3A, %swap3A_279], %mul3A_278 {strides = array<i32>} : memref<64x128xf32, #tpu.memory_space<vmem>>, vector<16xf32>,
          %get3A_281 = arith.index_cast %add3A_269 : i32 to index
          %get3A_282 = arith.constant 16 : index
          %get3A_283 = tpu.vector_load %arg16[%get3A_281, %get3A_282] {strides = array<i32>} : memref<64x128xf32, #tpu.memory_space<vmem>>, vector<16xf32>,
          %mul3A_284 = arith.mulf %get3A_283, %gather3A : vector<16xf32>
          %swap3A_285 = arith.index_cast %add3A_269 : i32 to index
          %swap3A_286 = arith.constant 16 : index
          %swap3A_287 = tpu.vector_load %arg16[%swap3A_285, %swap3A_286] {strides = array<i32>} : memref<64x128xf32, #tpu.memory_space<vmem>>, vector<16xf32>,
          tpu.vector_store %arg16[%swap3A_285, %swap3A_286], %mul3A_284 {strides = array<i32>} : memref<64x128xf32, #tpu.memory_space<vmem>>, vector<16xf32>,
          %get3A_288 = arith.index_cast %add3A_269 : i32 to index
          %get3A_289 = arith.constant 32 : index
          %get3A_290 = tpu.vector_load %arg16[%get3A_288, %get3A_289] {strides = array<i32>} : memref<64x128xf32, #tpu.memory_space<vmem>>, vector<16xf32>,
          %mul3A_291 = arith.mulf %get3A_290, %gather3A : vector<16xf32>
          %swap3A_292 = arith.index_cast %add3A_269 : i32 to index
          %swap3A_293 = arith.constant 32 : index
          %swap3A_294 = tpu.vector_load %arg16[%swap3A_292, %swap3A_293] {strides = array<i32>} : memref<64x128xf32, #tpu.memory_space<vmem>>, vector<16xf32>,
          tpu.vector_store %arg16[%swap3A_292, %swap3A_293], %mul3A_291 {strides = array<i32>} : memref<64x128xf32, #tpu.memory_space<vmem>>, vector<16xf32>,
          %get3A_295 = arith.index_cast %add3A_269 : i32 to index
          %get3A_296 = arith.constant 48 : index
          %get3A_297 = tpu.vector_load %arg16[%get3A_295, %get3A_296] {strides = array<i32>} : memref<64x128xf32, #tpu.memory_space<vmem>>, vector<16xf32>,
          %mul3A_298 = arith.mulf %get3A_297, %gather3A : vector<16xf32>
          %swap3A_299 = arith.index_cast %add3A_269 : i32 to index
          %swap3A_300 = arith.constant 48 : index
          %swap3A_301 = tpu.vector_load %arg16[%swap3A_299, %swap3A_300] {strides = array<i32>} : memref<64x128xf32, #tpu.memory_space<vmem>>, vector<16xf32>,
          tpu.vector_store %arg16[%swap3A_299, %swap3A_300], %mul3A_298 {strides = array<i32>} : memref<64x128xf32, #tpu.memory_space<vmem>>, vector<16xf32>,
          %get3A_302 = arith.index_cast %add3A_269 : i32 to index
          %get3A_303 = arith.constant 64 : index
          %get3A_304 = tpu.vector_load %arg16[%get3A_302, %get3A_303] {strides = array<i32>} : memref<64x128xf32, #tpu.memory_space<vmem>>, vector<16xf32>,
          %mul3A_305 = arith.mulf %get3A_304, %gather3A : vector<16xf32>
          %swap3A_306 = arith.index_cast %add3A_269 : i32 to index
          %swap3A_307 = arith.constant 64 : index
          %swap3A_308 = tpu.vector_load %arg16[%swap3A_306, %swap3A_307] {strides = array<i32>} : memref<64x128xf32, #tpu.memory_space<vmem>>, vector<16xf32>,
          tpu.vector_store %arg16[%swap3A_306, %swap3A_307], %mul3A_305 {strides = array<i32>} : memref<64x128xf32, #tpu.memory_space<vmem>>, vector<16xf32>,
          %get3A_309 = arith.index_cast %add3A_269 : i32 to index
          %get3A_310 = arith.constant 80 : index
          %get3A_311 = tpu.vector_load %arg16[%get3A_309, %get3A_310] {strides = array<i32>} : memref<64x128xf32, #tpu.memory_space<vmem>>, vector<16xf32>,
          %mul3A_312 = arith.mulf %get3A_311, %gather3A : vector<16xf32>
          %swap3A_313 = arith.index_cast %add3A_269 : i32 to index
          %swap3A_314 = arith.constant 80 : index
          %swap3A_315 = tpu.vector_load %arg16[%swap3A_313, %swap3A_314] {strides = array<i32>} : memref<64x128xf32, #tpu.memory_space<vmem>>, vector<16xf32>,
          tpu.vector_store %arg16[%swap3A_313, %swap3A_314], %mul3A_312 {strides = array<i32>} : memref<64x128xf32, #tpu.memory_space<vmem>>, vector<16xf32>,
          %get3A_316 = arith.index_cast %add3A_269 : i32 to index
          %get3A_317 = arith.constant 96 : index
          %get3A_318 = tpu.vector_load %arg16[%get3A_316, %get3A_317] {strides = array<i32>} : memref<64x128xf32, #tpu.memory_space<vmem>>, vector<16xf32>,
          %mul3A_319 = arith.mulf %get3A_318, %gather3A : vector<16xf32>
          %swap3A_320 = arith.index_cast %add3A_269 : i32 to index
          %swap3A_321 = arith.constant 96 : index
          %swap3A_322 = tpu.vector_load %arg16[%swap3A_320, %swap3A_321] {strides = array<i32>} : memref<64x128xf32, #tpu.memory_space<vmem>>, vector<16xf32>,
          tpu.vector_store %arg16[%swap3A_320, %swap3A_321], %mul3A_319 {strides = array<i32>} : memref<64x128xf32, #tpu.memory_space<vmem>>, vector<16xf32>,
          %get3A_323 = arith.index_cast %add3A_269 : i32 to index
          %get3A_324 = arith.constant 112 : index
          %get3A_325 = tpu.vector_load %arg16[%get3A_323, %get3A_324] {strides = array<i32>} : memref<64x128xf32, #tpu.memory_space<vmem>>, vector<16xf32>,
          %mul3A_326 = arith.mulf %get3A_325, %gather3A : vector<16xf32>
          %swap3A_327 = arith.index_cast %add3A_269 : i32 to index
          %swap3A_328 = arith.constant 112 : index
          %swap3A_329 = tpu.vector_load %arg16[%swap3A_327, %swap3A_328] {strides = array<i32>} : memref<64x128xf32, #tpu.memory_space<vmem>>, vector<16xf32>,
          tpu.vector_store %arg16[%swap3A_327, %swap3A_328], %mul3A_326 {strides = array<i32>} : memref<64x128xf32, #tpu.memory_space<vmem>>, vector<16xf32>,
        }
        %scan3A_185 = arith.constant 64 : i32
        %dma_start3A_186 = tpu.memref_slice %arg12[%mul3A_176] : memref<2048xi32, #tpu.memory_space<vmem>> -> memref<64xi32, #tpu.memory_space<vmem>>
        %dma_start3A_187 = arith.constant 0 : i32
        %dma_start3A_188 = arith.constant 0 : i32
        %dma_start3A_189 = tpu.memref_slice %arg19[%dma_start3A_187, %dma_start3A_188] : memref<10112x128xf32, #tpu.memory_space<vmem_shared>> -> memref<10112x128xf32, #tpu.memory_space<vmem_shared>>
        tpu.enqueue_indirect_dma source(%arg16 : memref<64x128xf32, #tpu.memory_space<vmem>>) target(%dma_start3A_189 : memref<10112x128xf32, #tpu.memory_space<vmem_shared>>) offsets(%dma_start3A_186 : memref<64xi32, #tpu.memory_space<vmem>>) semaphore(%arg26 : memref<!tpu.dma_semaphore, #tpu.memory_space<semaphore_mem>>) {add = true}
        %broadcast_in_dim3A_190 = arith.constant 1.000000e+00 : f32
        %broadcast_in_dim3A_191 = vector.broadcast %broadcast_in_dim3A_190 : f32 to vector<16xf32>
        %add3A_192 = arith.constant 0 : i32
        %add3A_193 = arith.addi %mul3A_176, %add3A_192 : i32
        %get3A_194 = arith.index_cast %add3A_193 : i32 to index
        %get3A_195 = tpu.vector_load %arg12[%get3A_194] {strides = array<i32>} : memref<2048xi32, #tpu.memory_space<vmem>>, vector<16xi32>,
        tpu.vector_store_idx %arg18[%get3A_195], %broadcast_in_dim3A_191 {add = true} : memref<10112xf32, #tpu.memory_space<vmem>>[vector<16xi32>], vector<16xf32>,
        %add3A_196 = arith.constant 16 : i32
        %add3A_197 = arith.addi %mul3A_176, %add3A_196 : i32
        %get3A_198 = arith.index_cast %add3A_197 : i32 to index
        %get3A_199 = tpu.vector_load %arg12[%get3A_198] {strides = array<i32>} : memref<2048xi32, #tpu.memory_space<vmem>>, vector<16xi32>,
        tpu.vector_store_idx %arg18[%get3A_199], %broadcast_in_dim3A_191 {add = true} : memref<10112xf32, #tpu.memory_space<vmem>>[vector<16xi32>], vector<16xf32>,
        %add3A_200 = arith.constant 32 : i32
        %add3A_201 = arith.addi %mul3A_176, %add3A_200 : i32
        %get3A_202 = arith.index_cast %add3A_201 : i32 to index
        %get3A_203 = tpu.vector_load %arg12[%get3A_202] {strides = array<i32>} : memref<2048xi32, #tpu.memory_space<vmem>>, vector<16xi32>,
        tpu.vector_store_idx %arg18[%get3A_203], %broadcast_in_dim3A_191 {add = true} : memref<10112xf32, #tpu.memory_space<vmem>>[vector<16xi32>], vector<16xf32>,
        %add3A_204 = arith.constant 48 : i32
        %add3A_205 = arith.addi %mul3A_176, %add3A_204 : i32
        %get3A_206 = arith.index_cast %add3A_205 : i32 to index
        %get3A_207 = tpu.vector_load %arg12[%get3A_206] {strides = array<i32>} : memref<2048xi32, #tpu.memory_space<vmem>>, vector<16xi32>,
        tpu.vector_store_idx %arg18[%get3A_207], %broadcast_in_dim3A_191 {add = true} : memref<10112xf32, #tpu.memory_space<vmem>>[vector<16xi32>], vector<16xf32>,
        %dma_wait3A_208 = tpu.memref_slice %arg12[%mul3A_176] : memref<2048xi32, #tpu.memory_space<vmem>> -> memref<64xi32, #tpu.memory_space<vmem>>
        %dma_wait3A_209 = arith.constant 0 : i32
        %dma_wait3A_210 = arith.constant 0 : i32
        %dma_wait3A_211 = tpu.memref_slice %arg19[%dma_wait3A_209, %dma_wait3A_210] : memref<10112x128xf32, #tpu.memory_space<vmem_shared>> -> memref<10112x128xf32, #tpu.memory_space<vmem_shared>>
        tpu.wait_indirect_dma semaphore(%arg26 : memref<!tpu.dma_semaphore, #tpu.memory_space<semaphore_mem>>) src(%arg16 : memref<64x128xf32, #tpu.memory_space<vmem>>) dst(%dma_wait3A_211 : memref<10112x128xf32, #tpu.memory_space<vmem_shared>>)
        %add3A_212 = arith.constant 4 : i32
        %add3A_213 = arith.addi %add3A_174, %add3A_212 : i32
        %lt3A_214 = arith.constant 32 : i32
        %lt3A_215 = arith.cmpi slt, %add3A_213, %lt3A_214 : i32
        %convert_element_type3A_216 = arith.extui %lt3A_215 : i1 to i32
        %cond3A_217 = arith.constant 0 : i32
        %cond3A_218 = arith.cmpi ne, %convert_element_type3A_216, %cond3A_217 : i32
        scf.if %cond3A_218 {
          %add3A_265 = arith.constant 4 : i32
          %add3A_266 = arith.addi %add3A_174, %add3A_265 : i32
          %mul3A_267 = arith.constant 64 : i32
          %mul3A_268 = arith.muli %add3A_266, %mul3A_267 : i32
          %dma_start3A_269 = tpu.memref_slice %arg11[%mul3A_268] : memref<2048xi32, #tpu.memory_space<vmem>> -> memref<64xi32, #tpu.memory_space<vmem>>
          %dma_start3A_270 = arith.constant 0 : i32
          %dma_start3A_271 = arith.constant 0 : i32
          %dma_start3A_272 = tpu.memref_slice %arg2[%dma_start3A_270, %dma_start3A_271] : memref<10000x128xf32, #tpu.memory_space<hbm>> -> memref<10000x128xf32, #tpu.memory_space<hbm>>
          tpu.enqueue_indirect_dma source(%dma_start3A_272 : memref<10000x128xf32, #tpu.memory_space<hbm>>) target(%arg16 : memref<64x128xf32, #tpu.memory_space<vmem>>) offsets(%dma_start3A_269 : memref<64xi32, #tpu.memory_space<vmem>>) semaphore(%arg22 : memref<!tpu.dma_semaphore, #tpu.memory_space<semaphore_mem>>)
        } else {
        }
        %add3A_219 = arith.constant 3 : i32
        %add3A_220 = arith.addi %add3A_82, %add3A_219 : i32
        %mul3A_221 = arith.constant 64 : i32
        %mul3A_222 = arith.muli %add3A_220, %mul3A_221 : i32
        %dma_wait3A_223 = tpu.memref_slice %arg11[%mul3A_222] : memref<2048xi32, #tpu.memory_space<vmem>> -> memref<64xi32, #tpu.memory_space<vmem>>
        %dma_wait3A_224 = arith.constant 0 : i32
        %dma_wait3A_225 = arith.constant 0 : i32
        %dma_wait3A_226 = tpu.memref_slice %arg2[%dma_wait3A_224, %dma_wait3A_225] : memref<10000x128xf32, #tpu.memory_space<hbm>> -> memref<10000x128xf32, #tpu.memory_space<hbm>>
        tpu.wait_indirect_dma semaphore(%arg23 : memref<!tpu.dma_semaphore, #tpu.memory_space<semaphore_mem>>) src(%dma_wait3A_226 : memref<10000x128xf32, #tpu.memory_space<hbm>>) dst(%arg17 : memref<64x128xf32, #tpu.memory_space<vmem>>)
        %scan3A_227 = arith.constant 0 : i32
        %scan3A_228 = arith.constant 64 : i32
        %scan3A_229 = arith.addi %scan3A_227, %scan3A_228 : i32
        %scan3A_230 = arith.constant 1 : i32
        scf.for %scan3A_265 = %scan3A_227 to %scan3A_229 step %scan3A_230  : i32 {
          %mul3A_266 = arith.constant 1 : i32
          %mul3A_267 = arith.muli %scan3A_265, %mul3A_266 : i32
          %add3A_268 = arith.constant 0 : i32
          %add3A_269 = arith.addi %add3A_268, %mul3A_267 : i32
          %broadcast_in_dim3A_270 = arith.constant 0 : i32
          %broadcast_in_dim3A_271 = vector.broadcast %broadcast_in_dim3A_270 : i32 to vector<16xi32>
          %add3A_272 = arith.addi %mul3A_222, %add3A_269 : i32
          %add3A_273 = vector.broadcast %add3A_272 : i32 to vector<16xi32>
          %add3A_274 = arith.addi %broadcast_in_dim3A_271, %add3A_273 : vector<16xi32>
          %gather3A = tpu.vector_load_idx %arg13[%add3A_274] : memref<2048xf32, #tpu.memory_space<vmem>>[vector<16xi32>], vector<16xf32>,
          %get3A_275 = arith.index_cast %add3A_269 : i32 to index
          %get3A_276 = arith.constant 0 : index
          %get3A_277 = tpu.vector_load %arg17[%get3A_275, %get3A_276] {strides = array<i32>} : memref<64x128xf32, #tpu.memory_space<vmem>>, vector<16xf32>,
          %mul3A_278 = arith.mulf %get3A_277, %gather3A : vector<16xf32>
          %swap3A = arith.index_cast %add3A_269 : i32 to index
          %swap3A_279 = arith.constant 0 : index
          %swap3A_280 = tpu.vector_load %arg17[%swap3A, %swap3A_279] {strides = array<i32>} : memref<64x128xf32, #tpu.memory_space<vmem>>, vector<16xf32>,
          tpu.vector_store %arg17[%swap3A, %swap3A_279], %mul3A_278 {strides = array<i32>} : memref<64x128xf32, #tpu.memory_space<vmem>>, vector<16xf32>,
          %get3A_281 = arith.index_cast %add3A_269 : i32 to index
          %get3A_282 = arith.constant 16 : index
          %get3A_283 = tpu.vector_load %arg17[%get3A_281, %get3A_282] {strides = array<i32>} : memref<64x128xf32, #tpu.memory_space<vmem>>, vector<16xf32>,
          %mul3A_284 = arith.mulf %get3A_283, %gather3A : vector<16xf32>
          %swap3A_285 = arith.index_cast %add3A_269 : i32 to index
          %swap3A_286 = arith.constant 16 : index
          %swap3A_287 = tpu.vector_load %arg17[%swap3A_285, %swap3A_286] {strides = array<i32>} : memref<64x128xf32, #tpu.memory_space<vmem>>, vector<16xf32>,
          tpu.vector_store %arg17[%swap3A_285, %swap3A_286], %mul3A_284 {strides = array<i32>} : memref<64x128xf32, #tpu.memory_space<vmem>>, vector<16xf32>,
          %get3A_288 = arith.index_cast %add3A_269 : i32 to index
          %get3A_289 = arith.constant 32 : index
          %get3A_290 = tpu.vector_load %arg17[%get3A_288, %get3A_289] {strides = array<i32>} : memref<64x128xf32, #tpu.memory_space<vmem>>, vector<16xf32>,
          %mul3A_291 = arith.mulf %get3A_290, %gather3A : vector<16xf32>
          %swap3A_292 = arith.index_cast %add3A_269 : i32 to index
          %swap3A_293 = arith.constant 32 : index
          %swap3A_294 = tpu.vector_load %arg17[%swap3A_292, %swap3A_293] {strides = array<i32>} : memref<64x128xf32, #tpu.memory_space<vmem>>, vector<16xf32>,
          tpu.vector_store %arg17[%swap3A_292, %swap3A_293], %mul3A_291 {strides = array<i32>} : memref<64x128xf32, #tpu.memory_space<vmem>>, vector<16xf32>,
          %get3A_295 = arith.index_cast %add3A_269 : i32 to index
          %get3A_296 = arith.constant 48 : index
          %get3A_297 = tpu.vector_load %arg17[%get3A_295, %get3A_296] {strides = array<i32>} : memref<64x128xf32, #tpu.memory_space<vmem>>, vector<16xf32>,
          %mul3A_298 = arith.mulf %get3A_297, %gather3A : vector<16xf32>
          %swap3A_299 = arith.index_cast %add3A_269 : i32 to index
          %swap3A_300 = arith.constant 48 : index
          %swap3A_301 = tpu.vector_load %arg17[%swap3A_299, %swap3A_300] {strides = array<i32>} : memref<64x128xf32, #tpu.memory_space<vmem>>, vector<16xf32>,
          tpu.vector_store %arg17[%swap3A_299, %swap3A_300], %mul3A_298 {strides = array<i32>} : memref<64x128xf32, #tpu.memory_space<vmem>>, vector<16xf32>,
          %get3A_302 = arith.index_cast %add3A_269 : i32 to index
          %get3A_303 = arith.constant 64 : index
          %get3A_304 = tpu.vector_load %arg17[%get3A_302, %get3A_303] {strides = array<i32>} : memref<64x128xf32, #tpu.memory_space<vmem>>, vector<16xf32>,
          %mul3A_305 = arith.mulf %get3A_304, %gather3A : vector<16xf32>
          %swap3A_306 = arith.index_cast %add3A_269 : i32 to index
          %swap3A_307 = arith.constant 64 : index
          %swap3A_308 = tpu.vector_load %arg17[%swap3A_306, %swap3A_307] {strides = array<i32>} : memref<64x128xf32, #tpu.memory_space<vmem>>, vector<16xf32>,
          tpu.vector_store %arg17[%swap3A_306, %swap3A_307], %mul3A_305 {strides = array<i32>} : memref<64x128xf32, #tpu.memory_space<vmem>>, vector<16xf32>,
          %get3A_309 = arith.index_cast %add3A_269 : i32 to index
          %get3A_310 = arith.constant 80 : index
          %get3A_311 = tpu.vector_load %arg17[%get3A_309, %get3A_310] {strides = array<i32>} : memref<64x128xf32, #tpu.memory_space<vmem>>, vector<16xf32>,
          %mul3A_312 = arith.mulf %get3A_311, %gather3A : vector<16xf32>
          %swap3A_313 = arith.index_cast %add3A_269 : i32 to index
          %swap3A_314 = arith.constant 80 : index
          %swap3A_315 = tpu.vector_load %arg17[%swap3A_313, %swap3A_314] {strides = array<i32>} : memref<64x128xf32, #tpu.memory_space<vmem>>, vector<16xf32>,
          tpu.vector_store %arg17[%swap3A_313, %swap3A_314], %mul3A_312 {strides = array<i32>} : memref<64x128xf32, #tpu.memory_space<vmem>>, vector<16xf32>,
          %get3A_316 = arith.index_cast %add3A_269 : i32 to index
          %get3A_317 = arith.constant 96 : index
          %get3A_318 = tpu.vector_load %arg17[%get3A_316, %get3A_317] {strides = array<i32>} : memref<64x128xf32, #tpu.memory_space<vmem>>, vector<16xf32>,
          %mul3A_319 = arith.mulf %get3A_318, %gather3A : vector<16xf32>
          %swap3A_320 = arith.index_cast %add3A_269 : i32 to index
          %swap3A_321 = arith.constant 96 : index
          %swap3A_322 = tpu.vector_load %arg17[%swap3A_320, %swap3A_321] {strides = array<i32>} : memref<64x128xf32, #tpu.memory_space<vmem>>, vector<16xf32>,
          tpu.vector_store %arg17[%swap3A_320, %swap3A_321], %mul3A_319 {strides = array<i32>} : memref<64x128xf32, #tpu.memory_space<vmem>>, vector<16xf32>,
          %get3A_323 = arith.index_cast %add3A_269 : i32 to index
          %get3A_324 = arith.constant 112 : index
          %get3A_325 = tpu.vector_load %arg17[%get3A_323, %get3A_324] {strides = array<i32>} : memref<64x128xf32, #tpu.memory_space<vmem>>, vector<16xf32>,
          %mul3A_326 = arith.mulf %get3A_325, %gather3A : vector<16xf32>
          %swap3A_327 = arith.index_cast %add3A_269 : i32 to index
          %swap3A_328 = arith.constant 112 : index
          %swap3A_329 = tpu.vector_load %arg17[%swap3A_327, %swap3A_328] {strides = array<i32>} : memref<64x128xf32, #tpu.memory_space<vmem>>, vector<16xf32>,
          tpu.vector_store %arg17[%swap3A_327, %swap3A_328], %mul3A_326 {strides = array<i32>} : memref<64x128xf32, #tpu.memory_space<vmem>>, vector<16xf32>,
        }
        %scan3A_231 = arith.constant 64 : i32
        %dma_start3A_232 = tpu.memref_slice %arg12[%mul3A_222] : memref<2048xi32, #tpu.memory_space<vmem>> -> memref<64xi32, #tpu.memory_space<vmem>>
        %dma_start3A_233 = arith.constant 0 : i32
        %dma_start3A_234 = arith.constant 0 : i32
        %dma_start3A_235 = tpu.memref_slice %arg19[%dma_start3A_233, %dma_start3A_234] : memref<10112x128xf32, #tpu.memory_space<vmem_shared>> -> memref<10112x128xf32, #tpu.memory_space<vmem_shared>>
        tpu.enqueue_indirect_dma source(%arg17 : memref<64x128xf32, #tpu.memory_space<vmem>>) target(%dma_start3A_235 : memref<10112x128xf32, #tpu.memory_space<vmem_shared>>) offsets(%dma_start3A_232 : memref<64xi32, #tpu.memory_space<vmem>>) semaphore(%arg27 : memref<!tpu.dma_semaphore, #tpu.memory_space<semaphore_mem>>) {add = true}
        %broadcast_in_dim3A_236 = arith.constant 1.000000e+00 : f32
        %broadcast_in_dim3A_237 = vector.broadcast %broadcast_in_dim3A_236 : f32 to vector<16xf32>
        %add3A_238 = arith.constant 0 : i32
        %add3A_239 = arith.addi %mul3A_222, %add3A_238 : i32
        %get3A_240 = arith.index_cast %add3A_239 : i32 to index
        %get3A_241 = tpu.vector_load %arg12[%get3A_240] {strides = array<i32>} : memref<2048xi32, #tpu.memory_space<vmem>>, vector<16xi32>,
        tpu.vector_store_idx %arg18[%get3A_241], %broadcast_in_dim3A_237 {add = true} : memref<10112xf32, #tpu.memory_space<vmem>>[vector<16xi32>], vector<16xf32>,
        %add3A_242 = arith.constant 16 : i32
        %add3A_243 = arith.addi %mul3A_222, %add3A_242 : i32
        %get3A_244 = arith.index_cast %add3A_243 : i32 to index
        %get3A_245 = tpu.vector_load %arg12[%get3A_244] {strides = array<i32>} : memref<2048xi32, #tpu.memory_space<vmem>>, vector<16xi32>,
        tpu.vector_store_idx %arg18[%get3A_245], %broadcast_in_dim3A_237 {add = true} : memref<10112xf32, #tpu.memory_space<vmem>>[vector<16xi32>], vector<16xf32>,
        %add3A_246 = arith.constant 32 : i32
        %add3A_247 = arith.addi %mul3A_222, %add3A_246 : i32
        %get3A_248 = arith.index_cast %add3A_247 : i32 to index
        %get3A_249 = tpu.vector_load %arg12[%get3A_248] {strides = array<i32>} : memref<2048xi32, #tpu.memory_space<vmem>>, vector<16xi32>,
        tpu.vector_store_idx %arg18[%get3A_249], %broadcast_in_dim3A_237 {add = true} : memref<10112xf32, #tpu.memory_space<vmem>>[vector<16xi32>], vector<16xf32>,
        %add3A_250 = arith.constant 48 : i32
        %add3A_251 = arith.addi %mul3A_222, %add3A_250 : i32
        %get3A_252 = arith.index_cast %add3A_251 : i32 to index
        %get3A_253 = tpu.vector_load %arg12[%get3A_252] {strides = array<i32>} : memref<2048xi32, #tpu.memory_space<vmem>>, vector<16xi32>,
        tpu.vector_store_idx %arg18[%get3A_253], %broadcast_in_dim3A_237 {add = true} : memref<10112xf32, #tpu.memory_space<vmem>>[vector<16xi32>], vector<16xf32>,
        %dma_wait3A_254 = tpu.memref_slice %arg12[%mul3A_222] : memref<2048xi32, #tpu.memory_space<vmem>> -> memref<64xi32, #tpu.memory_space<vmem>>
        %dma_wait3A_255 = arith.constant 0 : i32
        %dma_wait3A_256 = arith.constant 0 : i32
        %dma_wait3A_257 = tpu.memref_slice %arg19[%dma_wait3A_255, %dma_wait3A_256] : memref<10112x128xf32, #tpu.memory_space<vmem_shared>> -> memref<10112x128xf32, #tpu.memory_space<vmem_shared>>
        tpu.wait_indirect_dma semaphore(%arg27 : memref<!tpu.dma_semaphore, #tpu.memory_space<semaphore_mem>>) src(%arg17 : memref<64x128xf32, #tpu.memory_space<vmem>>) dst(%dma_wait3A_257 : memref<10112x128xf32, #tpu.memory_space<vmem_shared>>)
        %add3A_258 = arith.constant 4 : i32
        %add3A_259 = arith.addi %add3A_220, %add3A_258 : i32
        %lt3A_260 = arith.constant 32 : i32
        %lt3A_261 = arith.cmpi slt, %add3A_259, %lt3A_260 : i32
        %convert_element_type3A_262 = arith.extui %lt3A_261 : i1 to i32
        %cond3A_263 = arith.constant 0 : i32
        %cond3A_264 = arith.cmpi ne, %convert_element_type3A_262, %cond3A_263 : i32
        scf.if %cond3A_264 {
          %add3A_265 = arith.constant 4 : i32
          %add3A_266 = arith.addi %add3A_220, %add3A_265 : i32
          %mul3A_267 = arith.constant 64 : i32
          %mul3A_268 = arith.muli %add3A_266, %mul3A_267 : i32
          %dma_start3A_269 = tpu.memref_slice %arg11[%mul3A_268] : memref<2048xi32, #tpu.memory_space<vmem>> -> memref<64xi32, #tpu.memory_space<vmem>>
          %dma_start3A_270 = arith.constant 0 : i32
          %dma_start3A_271 = arith.constant 0 : i32
          %dma_start3A_272 = tpu.memref_slice %arg2[%dma_start3A_270, %dma_start3A_271] : memref<10000x128xf32, #tpu.memory_space<hbm>> -> memref<10000x128xf32, #tpu.memory_space<hbm>>
          tpu.enqueue_indirect_dma source(%dma_start3A_272 : memref<10000x128xf32, #tpu.memory_space<hbm>>) target(%arg17 : memref<64x128xf32, #tpu.memory_space<vmem>>) offsets(%dma_start3A_269 : memref<64xi32, #tpu.memory_space<vmem>>) semaphore(%arg23 : memref<!tpu.dma_semaphore, #tpu.memory_space<semaphore_mem>>)
        } else {
        }
      }
      %scan3A_77 = arith.constant 8 : i32
      "tpu.trace_stop"() : () -> ()
    }
    %scan3A_38 = arith.constant 5 : i32
    "tpu.trace_start"() <{level = 10 : i32, message = "sc_barrier1"}> : () -> ()
    %barrier3A_39 = arith.constant 0 : index
    tpu.barrier barrier_id(%barrier3A_39)
    "tpu.trace_stop"() : () -> ()
    "tpu.trace_start"() <{level = 10 : i32, message = "sc_readout"}> : () -> ()
    "tpu.region"() ({
      %run_scoped3A = tpu.sem_alloc : memref<!tpu.dma_semaphore, #tpu.memory_space<semaphore_mem>>
      %dma_start3A = arith.constant 0 : i32
      %dma_start3A_40 = tpu.memref_slice %arg9[%arg0, %mul3A_3, %dma_start3A] : memref<2x10112x128xf32, #tpu.memory_space<hbm>> -> memref<1x632x128xf32, #tpu.memory_space<hbm>>
      %dma_start3A_41 = tpu.memref_squeeze %dma_start3A_40 : memref<1x632x128xf32, #tpu.memory_space<hbm>> -> memref<632x128xf32, #tpu.memory_space<hbm>>
      %dma_start3A_42 = arith.constant 0 : i32
      %dma_start3A_43 = tpu.memref_slice %arg19[%mul3A_3, %dma_start3A_42] : memref<10112x128xf32, #tpu.memory_space<vmem_shared>> -> memref<632x128xf32, #tpu.memory_space<vmem_shared>>
      tpu.enqueue_dma source(%dma_start3A_43 : memref<632x128xf32, #tpu.memory_space<vmem_shared>>) target(%dma_start3A_41 : memref<632x128xf32, #tpu.memory_space<hbm>>) target_semaphore(%run_scoped3A : memref<!tpu.dma_semaphore, #tpu.memory_space<semaphore_mem>>)
      %dma_wait3A = arith.constant 0 : i32
      %dma_wait3A_44 = tpu.memref_slice %arg9[%arg0, %mul3A_3, %dma_wait3A] : memref<2x10112x128xf32, #tpu.memory_space<hbm>> -> memref<1x632x128xf32, #tpu.memory_space<hbm>>
      %dma_wait3A_45 = tpu.memref_squeeze %dma_wait3A_44 : memref<1x632x128xf32, #tpu.memory_space<hbm>> -> memref<632x128xf32, #tpu.memory_space<hbm>>
      %dma_wait3A_46 = arith.constant 0 : i32
      %dma_wait3A_47 = tpu.memref_slice %arg19[%mul3A_3, %dma_wait3A_46] : memref<10112x128xf32, #tpu.memory_space<vmem_shared>> -> memref<632x128xf32, #tpu.memory_space<vmem_shared>>
      tpu.wait_dma2 semaphore(%run_scoped3A : memref<!tpu.dma_semaphore, #tpu.memory_space<semaphore_mem>>) src(%dma_wait3A_47 : memref<632x128xf32, #tpu.memory_space<vmem_shared>>) dst(%dma_wait3A_45 : memref<632x128xf32, #tpu.memory_space<hbm>>)
      tpu.yield
    }) : () -> ()
    "tpu.region"() ({
      %run_scoped3A = tpu.sem_alloc : memref<!tpu.dma_semaphore, #tpu.memory_space<semaphore_mem>>
      %dma_start3A = arith.constant 0 : i32
      %dma_start3A_40 = tpu.memref_slice %arg10[%add3A, %dma_start3A] : memref<32x10112xf32, #tpu.memory_space<hbm>> -> memref<1x10112xf32, #tpu.memory_space<hbm>>
      %dma_start3A_41 = tpu.memref_squeeze %dma_start3A_40 : memref<1x10112xf32, #tpu.memory_space<hbm>> -> memref<10112xf32, #tpu.memory_space<hbm>>
      %dma_start3A_42 = arith.constant 0 : i32
      %dma_start3A_43 = tpu.memref_slice %arg10[%add3A, %dma_start3A_42] : memref<32x10112xf32, #tpu.memory_space<hbm>> -> memref<1x10112xf32, #tpu.memory_space<hbm>>
      %dma_start3A_44 = tpu.memref_squeeze %dma_start3A_43 : memref<1x10112xf32, #tpu.memory_space<hbm>> -> memref<10112xf32, #tpu.memory_space<hbm>>
      tpu.enqueue_dma source(%arg18 : memref<10112xf32, #tpu.memory_space<vmem>>) target(%dma_start3A_44 : memref<10112xf32, #tpu.memory_space<hbm>>) target_semaphore(%run_scoped3A : memref<!tpu.dma_semaphore, #tpu.memory_space<semaphore_mem>>)
      %dma_wait3A = arith.constant 0 : i32
      %dma_wait3A_45 = tpu.memref_slice %arg10[%add3A, %dma_wait3A] : memref<32x10112xf32, #tpu.memory_space<hbm>> -> memref<1x10112xf32, #tpu.memory_space<hbm>>
      %dma_wait3A_46 = tpu.memref_squeeze %dma_wait3A_45 : memref<1x10112xf32, #tpu.memory_space<hbm>> -> memref<10112xf32, #tpu.memory_space<hbm>>
      %dma_wait3A_47 = arith.constant 0 : i32
      %dma_wait3A_48 = tpu.memref_slice %arg10[%add3A, %dma_wait3A_47] : memref<32x10112xf32, #tpu.memory_space<hbm>> -> memref<1x10112xf32, #tpu.memory_space<hbm>>
      %dma_wait3A_49 = tpu.memref_squeeze %dma_wait3A_48 : memref<1x10112xf32, #tpu.memory_space<hbm>> -> memref<10112xf32, #tpu.memory_space<hbm>>
      tpu.wait_dma2 semaphore(%run_scoped3A : memref<!tpu.dma_semaphore, #tpu.memory_space<semaphore_mem>>) src(%arg18 : memref<10112xf32, #tpu.memory_space<vmem>>) dst(%dma_wait3A_49 : memref<10112xf32, #tpu.memory_space<hbm>>)
      tpu.yield
    }) : () -> ()
    "tpu.trace_stop"() : () -> ()
    return
  }
}

module attributes {stable_mosaic.version = 14 : i64} {
  func.func @_tc_body(%arg0: i32, %arg1: memref<2x2000x128xf32, #tpu.memory_space<vmem>>, %arg2: memref<2000x1xf32, #tpu.memory_space<vmem>>, %arg3: memref<128x128xf32, #tpu.memory_space<vmem>>, %arg4: memref<1x128xf32, #tpu.memory_space<vmem>>, %arg5: memref<2000x128xf32, #tpu.memory_space<vmem>>) attributes {dimension_semantics = [#tpu.dimension_semantics<arbitrary>], iteration_bounds = array<i64: 5>, scalar_prefetch = 0 : i64, scratch_operands = 0 : i64, tpu.core_type = #tpu.core_type<tc>, window_params = [{transform_indices = @transform_0, window_bounds = array<i64: 2, 2000, 128>}, {transform_indices = @transform_1, window_bounds = array<i64: 2000, 1>}, {pipeline_mode = #tpu.pipeline_mode<synchronous>, transform_indices = @transform_2, window_bounds = array<i64: 128, 128>}, {pipeline_mode = #tpu.pipeline_mode<synchronous>, transform_indices = @transform_3, window_bounds = array<i64: 1, 128>}, {transform_indices = @transform_4, window_bounds = array<i64: 2000, 128>}]} {
    %get3A = arith.constant 0 : index
    %get3A_0 = arith.constant 0 : index
    %get3A_1 = arith.constant 0 : index
    %get3A_2 = vector.load %arg1[%get3A, %get3A_0, %get3A_1] : memref<2x2000x128xf32, #tpu.memory_space<vmem>>, vector<1x2000x128xf32>
    %get3A_3 = vector.shape_cast %get3A_2 : vector<1x2000x128xf32> to vector<2000x128xf32>
    %get3A_4 = arith.constant 1 : index
    %get3A_5 = arith.constant 0 : index
    %get3A_6 = arith.constant 0 : index
    %get3A_7 = vector.load %arg1[%get3A_4, %get3A_5, %get3A_6] : memref<2x2000x128xf32, #tpu.memory_space<vmem>>, vector<1x2000x128xf32>
    %get3A_8 = vector.shape_cast %get3A_7 : vector<1x2000x128xf32> to vector<2000x128xf32>
    %add3A = arith.addf %get3A_3, %get3A_8 : vector<2000x128xf32>
    %get3A_9 = arith.constant 0 : index
    %get3A_10 = arith.constant 0 : index
    %get3A_11 = vector.load %arg2[%get3A_9, %get3A_10] : memref<2000x1xf32, #tpu.memory_space<vmem>>, vector<2000x1xf32>
    %max3A = arith.constant 1.000000e+00 : f32
    %max3A_12 = vector.broadcast %max3A : f32 to vector<2000x1xf32>
    %max3A_13 = arith.maximumf %get3A_11, %max3A_12 : vector<2000x1xf32>
    %div3A = vector.broadcast %max3A_13 : vector<2000x1xf32> to vector<2000x128xf32>
    %div3A_14 = arith.divf %add3A, %div3A : vector<2000x128xf32>
    %tanh3A = math.tanh %div3A_14 : vector<2000x128xf32>
    %get3A_15 = arith.constant 0 : index
    %get3A_16 = arith.constant 0 : index
    %get3A_17 = vector.load %arg3[%get3A_15, %get3A_16] : memref<128x128xf32, #tpu.memory_space<vmem>>, vector<128x128xf32>
    %dot_general3A = arith.constant dense<0.000000e+00> : vector<2000x128xf32>
    %dot_general3A_18 = tpu.matmul %tanh3A, %get3A_17, %dot_general3A {dimension_numbers = #tpu.dot_dimension_numbers<[1], [1], [0], [0], [0, 0, 1, 0], [], []>, transpose_lhs_hint = false} : vector<2000x128xf32>, vector<128x128xf32>, vector<2000x128xf32> -> vector<2000x128xf32>
    %get3A_19 = arith.constant 0 : index
    %get3A_20 = arith.constant 0 : index
    %get3A_21 = vector.load %arg4[%get3A_19, %get3A_20] : memref<1x128xf32, #tpu.memory_space<vmem>>, vector<1x128xf32>
    %add3A_22 = vector.broadcast %get3A_21 : vector<1x128xf32> to vector<2000x128xf32>
    %add3A_23 = arith.addf %dot_general3A_18, %add3A_22 : vector<2000x128xf32>
    %swap3A = arith.constant 0 : index
    %swap3A_24 = arith.constant 0 : index
    %swap3A_25 = vector.load %arg5[%swap3A, %swap3A_24] : memref<2000x128xf32, #tpu.memory_space<vmem>>, vector<2000x128xf32>
    tpu.vector_store %arg5[%swap3A, %swap3A_24], %add3A_23 {strides = array<i32>} : memref<2000x128xf32, #tpu.memory_space<vmem>>, vector<2000x128xf32>,
    return
  }
  func.func @transform_0(%arg0: i32) -> (i32, i32, i32) {
    %c0_i32 = arith.constant 0 : i32
    %c0_i32_0 = arith.constant 0 : i32
    %c0_i32_1 = arith.constant 0 : i32
    return %c0_i32, %arg0, %c0_i32_0 : i32, i32, i32
  }
  func.func @transform_1(%arg0: i32) -> (i32, i32) {
    %c0_i32 = arith.constant 0 : i32
    %c0_i32_0 = arith.constant 0 : i32
    return %arg0, %c0_i32 : i32, i32
  }
  func.func @transform_2(%arg0: i32) -> (i32, i32) {
    %c0_i32 = arith.constant 0 : i32
    %c0_i32_0 = arith.constant 0 : i32
    %c0_i32_1 = arith.constant 0 : i32
    return %c0_i32, %c0_i32_0 : i32, i32
  }
  func.func @transform_3(%arg0: i32) -> (i32, i32) {
    %c0_i32 = arith.constant 0 : i32
    %c0_i32_0 = arith.constant 0 : i32
    %c0_i32_1 = arith.constant 0 : i32
    return %c0_i32, %c0_i32_0 : i32, i32
  }
  func.func @transform_4(%arg0: i32) -> (i32, i32) {
    %c0_i32 = arith.constant 0 : i32
    %c0_i32_0 = arith.constant 0 : i32
    return %arg0, %c0_i32 : i32, i32
  }
}

</mosaic_0001>

<sc_bundles>
// kernel: kernel.4.cloned.1.call-start
scs
__scs_entry_jumppad:
0x0: {  	(pc) =	sbr.rel $0x88, $3  }
0x1: {  	(tag) =	ssettag $0x0;
	lr =	simm.s32 $0x1  }
0x2: {  	[smem:$0x3F9C] =	sst lr;
	_ =	strace $0xD0000000  }
0x3: {  	_ = 	snop  }
0x4: {  	_ = 	snop  }
0x5: {  	_ = 	snop  }
0x6: {  	_ = 	snop  }
0x7: {  	_ = 	snop  }
__scs_overlays_trampoline_lowered:
0x8: {  	[smem:$0x3FAB] =	sst s0  }
0x9: {  	[smem:$0x3FAC] =	sst s1  }
0xa: {  	[smem:$0x3FAD] =	sst s2  }
0xb: {  	[smem:$0x3FAE] =	sst s3  }
0xc: {  	[smem:$0x3FAF] =	sst s4  }
0xd: {  	[smem:$0x3FB0] =	sst s5  }
0xe: {  	[smem:$0x3FB1] =	sst s6  }
0xf: {  	[smem:$0x3FB2] =	sst s7  }
0x10: {  	[smem:$0x3FB3] =	sst s8  }
0x11: {  	[smem:$0x3FB4] =	sst s9;
	s0 =	simm.s32 @!p0 $0x0  }
0x12: {  	s1 =	sld [smem:$0x3F9A];
	s0 =	simm.s32 @p0 $0x1  }
0x13: {  	[smem:$0x3FB5] =	sst s0;
	s0 =	simm.s32 @!p1 $0x0  }
0x14: {  	s2 =	sld [smem:$0x3F99];
	s0 =	simm.s32 @p1 $0x1  }
0x15: {  	[smem:$0x3FB6] =	sst s0;
	s0 =	simm.s32 @!p2 $0x0  }
0x16: {  	s3 =	sld [smem:$0x3FDB];
	s0 =	simm.s32 @p2 $0x1  }
0x17: {  	s4 =	simm.s32 $0x1BF5;
	[smem:$0x3FB8] =	sst s0  }
0x18: {  	s0 =	sld [smem:$0x3F9B];
	_ =	swait.ge [sflag:s4], $0x0  }
0x19: {  	s7 =	sld [smem:$0x3F9C]  }
0x1a: {  	s8 =	sadd.s32 $0xFFFFE003, lr  }
0x1b: {  	s9 =	sadd.s32 $0xFFFFFEF7, lr;
	s5 =	simm.s32 $0xFFFFFFFF;
	p2 =	slt.u32 s8, $0xFFFFF086  }
0x1c: {  	p1 =	slt.u32 s9, $0xF7A;
	s5 =	simm.s32 @!p2 $0x0  }
0x1d: {  	s5 =	simm.s32 @p1 $0x1;
	p0 =	seq.s32 s7, s2  }
0x1e: {  	s7 =	smul.u32 @!p0 $0xF7A, s2;
	p2 =	seq.s32 @!p0 s5, $0x0  }
0x1f: {  	s9 =	smul.u32 $0xF7A, s1;
	s8 =	simm.s32 @!p0 $0x1BF5;
	p2 =	por !p2, p0  }
0x20: {  	[sflag:s8] =	ssyncset.s32 @!p0 $0xFFFFF086;
	s6 =	sadd.s32 @!p0 s3, s7;
	s7 =	simm.s32 @!p0 $0x108  }
0x21: {  	s3 =	sadd.s32 s3, s9;
	s6 =	sadd.s32 @!p0 $0x88, s6;
	s7 =	simm.s32 @p2 $0x1082  }
0x22: {  	[simem:s7], [sflag:s8] =	dma.local @!p0 [hbm:s6], $0xF7A  }
0x23: {  	s9 =	sor.u32 $0xD0000000, s2;
	s6 =	simm.s32 $0x108;
	_ =	swait.ge @!p0 [sflag:s8], $0x0  }
0x24: {  	s3 =	sadd.s32 $0x88, s3;
	s6 =	simm.s32 @!p1 $0x1082;
	[sflag:s4] =	ssyncset.s32 $0xFFFFF086  }
0x25: {  	[simem:s6], [sflag:s4] =	dma.local [hbm:s3], $0xF7A  }
0x26: {  	[smem:$0x3F9C] =	sst s1;
	(tag) =	ssettag s2;
	_ =	strace s9  }
0x27: {  	s1 =	sld [smem:$0x3FAC]  }
0x28: {  	s2 =	sld [smem:$0x3FAD]  }
0x29: {  	s4 =	sld [smem:$0x3FAF]  }
0x2a: {  	p0 =	seq.s32 s5, $0x0;
	s5 =	sld [smem:$0x3FB0]  }
0x2b: {  	s6 =	sld [smem:$0x3FB1]  }
0x2c: {  	s7 =	sld [smem:$0x3FB2]  }
0x2d: {  	s3 =	simm.s32 $0x108;
	s8 =	sld [smem:$0x3FB3]  }
0x2e: {  	s3 =	simm.s32 @!p0 $0x1082;
	s9 =	sld [smem:$0x3FB4]  }
0x2f: {  	lr =	sadd.s32 s0, s3;
	s0 =	sld [smem:$0x3FAB]  }
0x30: {  	s3 =	sld [smem:$0x3FAE]  }
0x31: {  	[smem:$0x3FB7] =	sst s10  }
0x32: {  	s10 =	sld [smem:$0x3FB5];
	_ =	sdelay $0x3  }
0x33: {  	p0 =	seq.s32 s10, $0x1;
	s10 =	sld [smem:$0x3FB7];
	_ =	sdelay $0x3  }
0x34: {  	[smem:$0x3FB7] =	sst s10  }
0x35: {  	s10 =	sld [smem:$0x3FB6];
	_ =	sdelay $0x3  }
0x36: {  	p1 =	seq.s32 s10, $0x1;
	s10 =	sld [smem:$0x3FB7];
	_ =	sdelay $0x3  }
0x37: {  	[smem:$0x3FB7] =	sst s10  }
0x38: {  	s10 =	sld [smem:$0x3FB8]  }
0x39: {  	_ = 	snop;
	(pc) =	sbr.ind lr, $3  }
0x3a: {  	_ = 	snop  }
0x3b: {  	_ = 	snop  }
0x3c: {  	p2 =	seq.s32 s10, $0x1;
	s10 =	sld [smem:$0x3FB7]  }
0x3d: {  	_ =	shalt  }
0x3e: {  	_ =	shalt  }
0x3f: {  	_ =	shalt  }
0x40: {  	_ =	shalt  }
0x41: {  	_ =	shalt  }
0x42: {  	_ =	shalt  }
0x43: {  	_ =	shalt  }
0x44: {  	_ =	shalt  }
0x45: {  	_ =	shalt  }
0x46: {  	_ =	shalt  }
0x47: {  	_ =	shalt  }
0x48: {  	_ =	shalt  }
0x49: {  	_ =	shalt  }
0x4a: {  	_ =	shalt  }
0x4b: {  	_ =	shalt  }
0x4c: {  	_ =	shalt  }
0x4d: {  	_ =	shalt  }
0x4e: {  	_ =	shalt  }
0x4f: {  	_ =	shalt  }
0x50: {  	_ =	shalt  }
0x51: {  	_ =	shalt  }
0x52: {  	_ =	shalt  }
0x53: {  	_ =	shalt  }
0x54: {  	_ =	shalt  }
0x55: {  	_ =	shalt  }
0x56: {  	_ =	shalt  }
0x57: {  	_ =	shalt  }
0x58: {  	_ =	shalt  }
0x59: {  	_ =	shalt  }
0x5a: {  	_ =	shalt  }
0x5b: {  	_ =	shalt  }
0x5c: {  	_ =	shalt  }
0x5d: {  	_ =	shalt  }
0x5e: {  	_ =	shalt  }
0x5f: {  	_ =	shalt  }
0x60: {  	_ =	shalt  }
0x61: {  	_ =	shalt  }
0x62: {  	_ =	shalt  }
0x63: {  	_ =	shalt  }
0x64: {  	_ =	shalt  }
0x65: {  	_ =	shalt  }
0x66: {  	_ =	shalt  }
0x67: {  	_ =	shalt  }
0x68: {  	_ =	shalt  }
0x69: {  	_ =	shalt  }
0x6a: {  	_ =	shalt  }
0x6b: {  	_ =	shalt  }
0x6c: {  	_ =	shalt  }
0x6d: {  	_ =	shalt  }
0x6e: {  	_ =	shalt  }
0x6f: {  	_ =	shalt  }
0x70: {  	_ =	shalt  }
0x71: {  	_ =	shalt  }
0x72: {  	_ =	shalt  }
0x73: {  	_ =	shalt  }
0x74: {  	_ =	shalt  }
0x75: {  	_ =	shalt  }
0x76: {  	_ =	shalt  }
0x77: {  	_ =	shalt  }
0x78: {  	_ =	shalt  }
0x79: {  	_ =	shalt  }
0x7a: {  	_ =	shalt  }
0x7b: {  	_ =	shalt  }
0x7c: {  	_ =	shalt  }
0x7d: {  	_ =	shalt  }
0x7e: {  	_ =	shalt  }
0x7f: {  	_ =	shalt  }
0x80: {  	_ =	shalt  }
0x81: {  	_ =	shalt  }
0x82: {  	_ =	shalt  }
0x83: {  	_ =	shalt  }
0x84: {  	_ =	shalt  }
0x85: {  	_ =	shalt  }
0x86: {  	_ =	shalt  }
0x87: {  	_ =	shalt  }
.Lfunc_end0:
.L_simem_size_0:
called_computation_lowered:
.L_overlay_start_0:
0x88: {  	s2 =	sld [smem:$0x3FD9]  }
0x89: {  	s3 =	sld [smem:$0x3FFE];
	_ =	sdelay $0x1  }
0x8a: {  	s1 =	srdreg.scid  }
0x8b: {  	s0 =	sand.u32 $0x1, s1  }
0x8c: {  	s17 =	sshll.u32 s0, $0xA;
	s2 =	sadd.s32 s3, s2  }
0x8d: {  	s2 =	sadd.s32 s2, s17  }
0x8e: {  	[smem:$0x3FC3] =	sst s2  }
0x8f: {  	_ = 	snop  }
0x90: {  	s2 =	sld [smem:$0x3FC9]  }
0x91: {  	s18 =	sld [smem:$0x3FC7]  }
0x92: {  	s4 =	sld [smem:$0x3FD0];
	(tm) =	ssettm $0x1  }
0x93: {  	s5 =	sld [smem:$0x3FFB];
	_ =	sdelay $0x3  }
0x94: {  	_ =	strace s5  }
0x95: {  	s5 =	sld [smem:$0x3FFC];
	_ =	sdelay $0x3  }
0x96: {  	_ =	strace s5  }
0x97: {  	s5 =	sld [smem:$0x3FFD];
	_ =	sdelay $0x3  }
0x98: {  	_ =	strace s5  }
0x99: {  	_ =	strace $0x8FFFFFFF  }
0x9a: {  	s19 =	sld [smem:$0x3FDB];
	_ =	sdelay $0x1  }
0x9b: {  	s6 =	simm.s32 $_scs_section_size  }
0x9c: {  	s7 =	simm.s32 $_size__tile_overlayer_lowered;
	s8 =	simm.s32 $_tile_overlayer_lowered  }
0x9d: {  	s22 =	simm.s32 $0x1BFF;
	s21 =	sshll.u32 s8, $0x1;
	s5 =	sadd.s32 s6, s19  }
0x9e: {  	s9 =	simm.s32 $0x0;
	s20 =	sshll.u32 s7, $0x1;
	s7 =	sadd.s32 s21, s5  }
0x9f: {  	[timem:s9], [sflag:s22] =	dma.local [hbm:s7], s20  }
0xa0: {  	_ =	swait.ge [sflag:s22], s20  }
0xa1: {  	s6 =	ssub.s32 $0x0, s20;
	[sflag:s22] =	ssyncset.done $0x0  }
0xa2: {  	[sflag:s22] =	ssyncadd.s32 s6;
	_ =	sdelay $0x1  }
0xa3: {  	s23 =	simm.s32 $0x1B8B  }
0xa4: {  	_ =	swait.ge [sflag:s23], $0x1  }
0xa5: {  	[sflag:s23] =	ssyncset.done $0x0  }
0xa6: {  	s25 =	simm.s32 $0x1B8E;
	s24 =	sld [smem:$0x3FFE];
	[sflag:s23] =	ssyncadd.s32 $0xFFFFFFFF  }
0xa7: {  	s26 =	simm.s32 $execute0_lowered;
	[smem:$0x3FD2] =	sst s25  }
0xa8: {  	s7 =	sshll.u32 s26, $0x1;
	_ =	strace $0x80000046;
	[dreg:$0x1] =	wrdreg $0xFFFFFFFF  }
0xa9: {  	s28 =	simm.s32 $_size_execute0_lowered;
	s5 =	sadd.s32 s5, s7;
	[dreg:$0x0] =	wrdreg $0x0  }
0xaa: {  	s7 =	sshll.u32 s28, $0x1;
	[dreg:$0x2] =	wrdreg s5  }
0xab: {  	[dreg:$0x3] =	wrdreg s7  }
0xac: {  	[dreg:$0x4] =	wrdreg $0xC0  }
0xad: {  	_ =	task [dreg:s9], $0x5FFFF  }
0xae: {  	[dreg:$0x1] =	wrdreg $0xFFFFFFFF  }
0xaf: {  	[dreg:$0x0] =	wrdreg $0x60  }
0xb0: {  	[dreg:$0x2] =	wrdreg s2  }
0xb1: {  	[dreg:$0x3] =	wrdreg s24  }
0xb2: {  	[dreg:$0x4] =	wrdreg s18  }
0xb3: {  	[dreg:$0x5] =	wrdreg s4  }
0xb4: {  	[dreg:$0x6] =	wrdreg $0xBF800  }
0xb5: {  	[dreg:$0x7] =	wrdreg $0x9  }
0xb6: {  	_ =	task.clear_ibuf [dreg:s9], $0x8FFFF;
	_ =	strace $0x90000046  }
0xb7: {  	s29 =	simm.s32 $0x9;
	_ =	strace $0x8000004E  }
0xb8: {  	_ =	swait.ge [sflag:s29], $0x1  }
0xb9: {  	[sflag:s29] =	ssyncadd.s32 $0xFFFFFFFF  }
0xba: {  	_ =	strace $0x9000004E  }
0xbb: {  	_ =	sfence  }
0xbc: {  	s30 =	sld [smem:$0x0];
	_ =	sdelay $0x2  }
0xbd: {  	s31 =	sshll.u32 s1, $0xD;
	s1 =	sshrl.u32 s1, $0x2  }
0xbe: {  	s3 =	sand.u32 $0x4000, s31;
	s1 =	sadd.s32 s1, s30  }
0xbf: {  	s0 =	sor.u32 s3, s0;
	s1 =	sshll.u32 s1, $0x11  }
0xc0: {  	s0 =	sor.u32 s1, s0  }
0xc1: {  	s0 =	sadd.s32 $0x8F2B, s0  }
0xc2: {  	[sflag:s0] =	ssyncadd.remote.s32 $0x1  }
0xc3: {  	_ =	sfence.sel $0xFFFF  }
0xc4: {  	[dreg:$0x0] =	wrdreg $0xFFFFFFFF;
	(pc) =	sbr.abs _section_cstart, $3  }
0xc5: {  	[dreg:$0x1] =	wrdreg $0xFFFFFFFF  }
0xc6: {  	_ =	task.clear_ibuf [dreg:s9], $0x2FFFF;
	_ =	strace $0x9FFFFFFF  }
0xc7: {  	(tm) =	ssettm $0x7FFFFFFF  }
tec
execute0_lowered:
.L_overlay_start_1:
0x0: {  	(tag) =	ssettag $0x1  }
0x1: {  	s1 =	rddreg [dreg:$0x0]  }
0x2: {  	s0 =	rddreg [dreg:$0x1]  }
0x3: {  	s2 =	rddreg [dreg:$0x3]  }
0x4: {  	s3 =	rddreg [dreg:$0x4]  }
0x5: {  	s4 =	srdreg.scid;
	s9 =	simm.s32 $0x0;
	s8 =	stileid.u32  }
0x6: {  	s28 =	simm.s32 $0x1000;
	s29 =	simm.s32 $0x3800;
	s30 =	simm.s32 $0x5800  }
0x7: {  	s31 =	simm.s32 $0x7800;
	s4 =	sand.u32 $0x1, s4;
	[smem:$0x7FF] =	sst s9  }
0x8: {  	s6 =	smul.u32 $0x13C00, s8;
	s7 =	sadd.s32 $0xA800, s0;
	s24 =	sadd.s32 $0xA00, s0  }
0x9: {  	s25 =	sadd.s32 $0x14A00, s0;
	s26 =	smul.u32 $0x4F000, s8;
	s10 =	sadd.s32 $0x14E00, s0  }
0xa: {  	s5 =	smul.u32 $0x13C000, s4;
	_ =	strace $0x80000047;
	[dreg:$0x7] =	wrdreg s7  }
0xb: {  	[dreg:$0x8] =	wrdreg s24;
	s12 =	ssub.s32 $0x2, s4;
	s4 =	sshll.u32 s4, $0x4  }
0xc: {  	s11 =	sadd.s32 $0x14600, s0;
	[dreg:$0x9] =	wrdreg s25;
	s4 =	sor.u32 s8, s4  }
0xd: {  	[dreg:$0xa] =	wrdreg s10;
	s16 =	sshrl.u32 s4, $0x3;
	s4 =	smul.u32 $0x5, s4  }
0xe: {  	[dreg:$0xb] =	wrdreg s11;
	s5 =	sadd.s32 s6, s5;
	s6 =	sshrl.u32 s26, $0x2  }
0xf: {  	s18 =	sshll.u32 s8, $0x7;
	s10 =	sadd.s32 s6, s3;
	[dreg:$0x16] =	wrdreg s4  }
0x10: {  	s7 =	sand.u32 $0x380, s18;
	s6 =	sadd.s32 $0x2000, s10;
	[dreg:$0xc] =	wrdreg s10  }
0x11: {  	s18 =	simm.s32 $0x4;
	s14 =	sadd.s32 $0x4000, s10;
	[dreg:$0xd] =	wrdreg s6  }
0x12: {  	s13 =	sshrl.u32 s12, $0x1;
	s15 =	sadd.s32 $0x6000, s10;
	[dreg:$0xe] =	wrdreg s14  }
0x13: {  	s5 =	sshrl.u32 s5, $0x3;
	s17 =	sadd.s32 $0x8000, s10;
	[dreg:$0xf] =	wrdreg s15  }
0x14: {  	s0 =	sadd.s32 s5, s0;
	s19 =	sadd.s32 $0xA000, s10;
	[dreg:$0x10] =	wrdreg s17  }
0x15: {  	s5 =	ssub.s32 s12, s13;
	s20 =	sadd.s32 $0xC000, s10;
	[dreg:$0x11] =	wrdreg s19  }
0x16: {  	s21 =	sadd.s32 $0xE000, s10;
	s22 =	sadd.s32 $0x10000, s10;
	[dreg:$0x12] =	wrdreg s20  }
0x17: {  	s23 =	sadd.s32 $0x12000, s10;
	s4 =	simm.s32 $0x40;
	[dreg:$0x13] =	wrdreg s21  }
0x18: {  	s12 =	simm.s32 $0x9800;
	s13 =	simm.s32 $0x5;
	[dreg:$0x14] =	wrdreg s22  }
0x19: {  	s6 =	smul.u32 $0x13C00, s16;
	[dreg:$0x15] =	wrdreg s23;
	s0 =	sadd.s32 $0x15200, s0  }
.Ltmp0:
0x1a: {  	s26 =	smax.u32 s5, $0x1;
	s14 =	simm.s32 $0x2;
	(pc) =	sbr.rel .LBB2_1-.Ltmp0, $4  }
0x1b: {  	s15 =	simm.s32 $0x6;
	s16 =	simm.s32 $0x3;
	s6 =	sor.u32 s7, s6  }
0x1c: {  	s17 =	simm.s32 $0x7;
	[dreg:$0x17] =	wrdreg s0;
	s24 =	sshrl.u32 s6, $0x3  }
0x1d: {  	s19 =	simm.s32 $0x8;
	[dreg:$0x19] =	wrdreg s26;
	s25 =	sadd.s32 s2, s24  }
0x1e: {  	v0 =	vimm.f32 $0.0e+00;
	v1 =	vimm.f32 $1.000000000e+00;
	s0 =	simm.s32 $0x1;
	[dreg:$0x18] =	wrdreg s25;
	s25 =	simm.s32 $0x1800  }
.LBB2_18:
0x1f: {  	_ =	strace $0x8000004C  }
0x20: {  	[bflag:$0x0] =	sbarrier.arrive $0xFFFF  }
0x21: {  	_ =	strace $0x9000004C  }
0x22: {  	s2 =	stileid.u32;
	_ =	strace $0x8000004D  }
0x23: {  	s22 =	simm.s32 $0x9;
	s2 =	sshll.u32 s2, $0x6;
	s10 =	rddreg [dreg:$0xc]  }
0x24: {  	s2 =	sor.u32 $0x1C09, s2;
	s6 =	rddreg [dreg:$0x17];
	s5 =	sshrl.u32 s10, $0x3  }
0x25: {  	[hbm:s6], [sflag:s2] =	dma.local [spmem:s5], $0x2780  }
0x26: {  	_ =	swait.ge [sflag:s22], $0x2780  }
0x27: {  	s24 =	simm.s32 $0x80;
	[sflag:s22] =	ssyncset.done $0x0  }
0x28: {  	s7 =	simm.s32 $0x400;
	s23 =	rddreg [dreg:$0x18];
	[sflag:s22] =	ssyncadd.s32 $0xFFFFD880  }
0x29: {  	[hbm4b:s23+s24] =	stream.strided.scatter [tilespmem:s12], [sflag:$0x9], $0x2780, s7, s24, $0x200038;
	[tilespmem:$0x1FB80] =	vst v63  }
0x2a: {  	_ =	swait.ge [sflag:s22], $0x2780  }
0x2b: {  	s9 =	rddreg [dreg:$0x6]  }
0x2c: {  	s26 =	rddreg [dreg:$0x19];
	s9 =	sadd.s32 $0x1, s9  }
0x2d: {  	p0 =	sne.s32 s9, s26  }
.Ltmp1:
0x2e: {  	_ = 	snop;
	(pc) =	sbr.rel @!p0 .LBB2_19-.Ltmp1, $4  }
0x2f: {  	_ = 	snop  }
0x30: {  	[sflag:s22] =	ssyncset.done $0x0  }
0x31: {  	[sflag:s22] =	ssyncadd.s32 $0xFFFFD880  }
0x32: {  	_ =	strace $0x9000004D  }
.LBB2_1:
0x33: {  	_ =	strace $0x80000048;
	s2 =	simm.s32 $0x0  }
.LBB2_2:
0x34: {  	p0 =	sne.s32 s2, $0x9DC0  }
.Ltmp2:
0x35: {  	_ = 	snop;
	(pc) =	sbr.rel @p0 .LBB2_2-.Ltmp2, $3  }
0x36: {  	_ =	sdelay $0x1  }
0x37: {  	s5 =	sshra.s32 s2, $0x2  }
0x38: {  	s2 =	sadd.s32 $0x40, s2;
	[tilespmem:s5+$0x9800] =	vst v0  }
0x39: {  	[dreg:$0x6] =	wrdreg s9;
	s2 =	simm.s32 $0x0;
	s5 =	simm.s32 $0x200  }
.LBB2_4:
0x3a: {  	p0 =	sne.s32 s5, $0x7E00;
	[tilespmem:s2+$0x1870] =	vst v0  }
0x3b: {  	[tilespmem:s2+$0x1800] =	vst v0  }
0x3c: {  	[tilespmem:s2+$0x1810] =	vst v0  }
.Ltmp3:
0x3d: {  	[tilespmem:s2+$0x1820] =	vst v0;
	(pc) =	sbr.rel @p0 .LBB2_4-.Ltmp3, $4  }
0x3e: {  	[tilespmem:s2+$0x1830] =	vst v0  }
0x3f: {  	[tilespmem:s2+$0x1840] =	vst v0  }
0x40: {  	[tilespmem:s2+$0x1850] =	vst v0  }
0x41: {  	[tilespmem:s2+$0x1860] =	vst v0;
	s2 =	sshra.s32 s5, $0x2;
	s5 =	sadd.s32 $0x200, s5  }
0x42: {  	[tilespmem:s2+$0x1870] =	vst v0  }
0x43: {  	[tilespmem:s2+$0x1800] =	vst v0  }
0x44: {  	[tilespmem:s2+$0x1810] =	vst v0  }
0x45: {  	[tilespmem:s2+$0x1820] =	vst v0  }
0x46: {  	[tilespmem:s2+$0x1830] =	vst v0  }
0x47: {  	[tilespmem:s2+$0x1840] =	vst v0  }
0x48: {  	[tilespmem:s2+$0x1850] =	vst v0  }
0x49: {  	[tilespmem:s2+$0x1860] =	vst v0;
	s5 =	simm.s32 $0x9  }
0x4a: {  	[spmem:s10] =	stream.linear.scatter [tilespmem:s25], [sflag:$0x9], $0x2000, $0x200038;
	[tilespmem:$0x1FB80] =	vst v63  }
0x4b: {  	_ =	swait.ge [sflag:s5], $0x2000  }
0x4c: {  	[sflag:s5] =	ssyncset.done $0x0  }
0x4d: {  	s9 =	rddreg [dreg:$0xd];
	[sflag:s5] =	ssyncadd.s32 $0xFFFFE000  }
0x4e: {  	[spmem:s9] =	stream.linear.scatter [tilespmem:s25], [sflag:$0x9], $0x2000, $0x200038;
	[tilespmem:$0x1FB80] =	vst v63  }
0x4f: {  	_ =	swait.ge [sflag:s5], $0x2000  }
0x50: {  	[sflag:s5] =	ssyncset.done $0x0  }
0x51: {  	s10 =	rddreg [dreg:$0xe];
	[sflag:s5] =	ssyncadd.s32 $0xFFFFE000  }
0x52: {  	[spmem:s10] =	stream.linear.scatter [tilespmem:s25], [sflag:$0x9], $0x2000, $0x200038;
	[tilespmem:$0x1FB80] =	vst v63  }
0x53: {  	_ =	swait.ge [sflag:s5], $0x2000  }
0x54: {  	[sflag:s5] =	ssyncset.done $0x0  }
0x55: {  	s11 =	rddreg [dreg:$0xf];
	[sflag:s5] =	ssyncadd.s32 $0xFFFFE000  }
0x56: {  	[spmem:s11] =	stream.linear.scatter [tilespmem:s25], [sflag:$0x9], $0x2000, $0x200038;
	[tilespmem:$0x1FB80] =	vst v63  }
0x57: {  	_ =	swait.ge [sflag:s5], $0x2000  }
0x58: {  	[sflag:s5] =	ssyncset.done $0x0  }
0x59: {  	s20 =	rddreg [dreg:$0x10];
	[sflag:s5] =	ssyncadd.s32 $0xFFFFE000  }
0x5a: {  	[spmem:s20] =	stream.linear.scatter [tilespmem:s25], [sflag:$0x9], $0x2000, $0x200038;
	[tilespmem:$0x1FB80] =	vst v63  }
0x5b: {  	_ =	swait.ge [sflag:s5], $0x2000  }
0x5c: {  	[sflag:s5] =	ssyncset.done $0x0  }
0x5d: {  	s21 =	rddreg [dreg:$0x11];
	[sflag:s5] =	ssyncadd.s32 $0xFFFFE000  }
0x5e: {  	[spmem:s21] =	stream.linear.scatter [tilespmem:s25], [sflag:$0x9], $0x2000, $0x200038;
	[tilespmem:$0x1FB80] =	vst v63  }
0x5f: {  	_ =	swait.ge [sflag:s5], $0x2000  }
0x60: {  	[sflag:s5] =	ssyncset.done $0x0  }
0x61: {  	s22 =	rddreg [dreg:$0x12];
	[sflag:s5] =	ssyncadd.s32 $0xFFFFE000  }
0x62: {  	[spmem:s22] =	stream.linear.scatter [tilespmem:s25], [sflag:$0x9], $0x2000, $0x200038;
	[tilespmem:$0x1FB80] =	vst v63  }
0x63: {  	_ =	swait.ge [sflag:s5], $0x2000  }
0x64: {  	[sflag:s5] =	ssyncset.done $0x0  }
0x65: {  	s23 =	rddreg [dreg:$0x13];
	[sflag:s5] =	ssyncadd.s32 $0xFFFFE000  }
0x66: {  	[spmem:s23] =	stream.linear.scatter [tilespmem:s25], [sflag:$0x9], $0x2000, $0x200038;
	[tilespmem:$0x1FB80] =	vst v63  }
0x67: {  	_ =	swait.ge [sflag:s5], $0x2000  }
0x68: {  	[sflag:s5] =	ssyncset.done $0x0  }
0x69: {  	s24 =	rddreg [dreg:$0x14];
	[sflag:s5] =	ssyncadd.s32 $0xFFFFE000  }
0x6a: {  	[spmem:s24] =	stream.linear.scatter [tilespmem:s25], [sflag:$0x9], $0x2000, $0x200038;
	[tilespmem:$0x1FB80] =	vst v63  }
0x6b: {  	_ =	swait.ge [sflag:s5], $0x2000  }
0x6c: {  	[sflag:s5] =	ssyncset.done $0x0  }
0x6d: {  	s26 =	rddreg [dreg:$0x15];
	[sflag:s5] =	ssyncadd.s32 $0xFFFFE000  }
0x6e: {  	[spmem:s26] =	stream.linear.scatter [tilespmem:s25], [sflag:$0x9], $0x1C00, $0x200038;
	[tilespmem:$0x1FB80] =	vst v63  }
0x6f: {  	_ =	swait.ge [sflag:s5], $0x1C00  }
0x70: {  	[sflag:s5] =	ssyncset.done $0x0  }
.Ltmp4:
0x71: {  	[sflag:s5] =	ssyncadd.s32 $0xFFFFE400;
	(pc) =	sbr.rel .LBB2_6-.Ltmp4, $4  }
0x72: {  	_ =	strace $0x90000048  }
0x73: {  	_ =	strace $0x80000049  }
0x74: {  	[bflag:$0x0] =	sbarrier.arrive $0xFFFF  }
0x75: {  	s22 =	simm.s32 $0x0;
	_ =	strace $0x90000049  }
.LBB2_17:
0x76: {  	s22 =	sadd.s32 $0x1, s22  }
0x77: {  	p0 =	sne.s32 s22, $0x5  }
.Ltmp5:
0x78: {  	_ = 	snop;
	(pc) =	sbr.rel @!p0 .LBB2_18-.Ltmp5, $2  }
0x79: {  	_ =	sdelay $0x2  }
0x7a: {  	_ =	strace $0x9000004B  }
.LBB2_6:
0x7b: {  	s2 =	rddreg [dreg:$0x16]  }
0x7c: {  	s2 =	sadd.s32 s2, s22  }
0x7d: {  	p0 =	sgt.u32 s2, $0x9B  }
0x7e: {  	s5 =	sshll.u32 @p0 s2, $0xB  }
0x7f: {  	_ =	strace $0x8000004A;
	s5 =	sadd.s32 @p0 $0xFFFB2000, s5  }
0x80: {  	s6 =	rddreg [dreg:$0x9];
	s5 =	sshrl.u32 @p0 s5, $0x3  }
0x81: {  	s7 =	simm.s32 @p0 $0x0;
	s6 =	sadd.s32 @p0 s6, s5  }
0x82: {  	[tilespmem:s7], [sflag:$0x9] =	stream.linear.gather @p0 [hbm4b:s6+s7], $0x800, $0x200038;
	[tilespmem:$0x1FB80] =	vst v63  }
0x83: {  	s6 =	simm.s32 @p0 $0x9  }
0x84: {  	_ =	swait.ge @p0 [sflag:s6], $0x800  }
0x85: {  	[sflag:s6] =	ssyncset.done @p0 $0x0;
	s8 =	rddreg [dreg:$0xa]  }
0x86: {  	s9 =	simm.s32 @p0 $0x800;
	[sflag:s6] =	ssyncadd.s32 @p0 $0xFFFFF800;
	s8 =	sadd.s32 @p0 s8, s5  }
0x87: {  	[tilespmem:s9], [sflag:$0x9] =	stream.linear.gather @p0 [hbm4b:s8+s7], $0x800, $0x200038;
	[tilespmem:$0x1FB80] =	vst v63  }
0x88: {  	_ =	swait.ge @p0 [sflag:s6], $0x800  }
0x89: {  	[sflag:s6] =	ssyncset.done @p0 $0x0  }
0x8a: {  	s2 =	sshll.u32 @!p0 s2, $0x8;
	[sflag:s6] =	ssyncadd.s32 @p0 $0xFFFFF800;
	s6 =	rddreg [dreg:$0x7]  }
0x8b: {  	s7 =	simm.s32 @!p0 $0x0;
	s6 =	sadd.s32 @!p0 s6, s2  }
0x8c: {  	[tilespmem:s7], [sflag:$0x9] =	stream.linear.gather @!p0 [hbm4b:s6+s7], $0x800, $0x200038;
	[tilespmem:$0x1FB80] =	vst v63  }
0x8d: {  	s6 =	simm.s32 @!p0 $0x9  }
0x8e: {  	_ =	swait.ge @!p0 [sflag:s6], $0x800  }
0x8f: {  	[sflag:s6] =	ssyncset.done @!p0 $0x0;
	s8 =	rddreg [dreg:$0x8]  }
0x90: {  	s9 =	simm.s32 @!p0 $0x800;
	[sflag:s6] =	ssyncadd.s32 @!p0 $0xFFFFF800;
	s8 =	sadd.s32 @!p0 s8, s2  }
0x91: {  	[tilespmem:s9], [sflag:$0x9] =	stream.linear.gather @!p0 [hbm4b:s8+s7], $0x800, $0x200038;
	[tilespmem:$0x1FB80] =	vst v63  }
0x92: {  	_ =	swait.ge @!p0 [sflag:s6], $0x800  }
0x93: {  	s7 =	rddreg [dreg:$0xb];
	[sflag:s6] =	ssyncset.done @!p0 $0x0  }
0x94: {  	s5 =	sadd.s32 @p0 s7, s5;
	s7 =	rddreg [dreg:$0x2]  }
0x95: {  	s24 =	simm.s32 $0x0;
	s2 =	sadd.s32 @!p0 s7, s2  }
0x96: {  	s26 =	simm.s32 $0x9;
	[sflag:s6] =	ssyncadd.s32 @!p0 $0xFFFFF800;
	s2 =	smov.u32 @p0 s5  }
0x97: {  	[tilespmem:s28], [sflag:$0x9] =	stream.linear.gather [hbm4b:s2+s24], $0x800, $0x200038;
	[tilespmem:$0x1FB80] =	vst v63  }
0x98: {  	_ =	swait.ge [sflag:s26], $0x800  }
0x99: {  	[sflag:s26] =	ssyncset.done $0x0  }
0x9a: {  	s23 =	simm.s32 $0x40;
	[sflag:s26] =	ssyncadd.s32 $0xFFFFF800  }
0x9b: {  	[tilespmem:s25], [sflag:$0x1] =	stream.indirect.gather [hbm4b:s1+s23], $0x80, s24, s23, $0x2000b8;
	[tilespmem:$0x1FB80] =	vst v63  }
0x9c: {  	_ = 	snop  }
0x9d: {  	[tilespmem:s29], [sflag:$0x2] =	stream.indirect.gather [hbm4b:s1+s23], $0x80, s23, s23, $0x2000b8;
	[tilespmem:$0x1FB80] =	vst v63  }
0x9e: {  	s24 =	simm.s32 $0x80  }
0x9f: {  	[tilespmem:s30], [sflag:$0x3] =	stream.indirect.gather [hbm4b:s1+s23], $0x80, s24, s23, $0x2000b8;
	[tilespmem:$0x1FB80] =	vst v63  }
0xa0: {  	s11 =	simm.s32 $0xC0  }
0xa1: {  	[tilespmem:s31], [sflag:$0x4] =	stream.indirect.gather [hbm4b:s1+s23], $0x80, s11, s23, $0x2000b8;
	[tilespmem:$0x1FB80] =	vst v63  }
0xa2: {  	_ =	strace $0x9000004A  }
0xa3: {  	s5 =	simm.s32 $0x0;
	s2 =	simm.s32 $0x0;
	_ =	strace $0x8000004B  }
.LBB2_7:
0xa4: {  	_ =	swait.ge [sflag:s0], $0x2000;
	s6 =	sadd.s32 $0x0, s5  }
0xa5: {  	[sflag:s0] =	ssyncset.done $0x0;
	v2 =	vmov s6  }
0xa6: {  	s7 =	simm.s32 $0x1840;
	[sflag:s0] =	ssyncadd.s32 $0xFFFFE000  }
0xa7: {  	v6 =	vld [tilespmem:s7+$0x30]  }
0xa8: {  	v9 =	vld [tilespmem:s7+$0x10]  }
0xa9: {  	v7 =	vld [tilespmem:s7+$0xFFFFFFC0]  }
0xaa: {  	v3 =	vld.idx.msk [tilespmem:v2+s28+$0x0], $0xffff  }
0xab: {  	v11 =	vld [tilespmem:s7+$0xFFFFFFE0]  }
0xac: {  	v4 =	vld [tilespmem:s7+$0x20]  }
0xad: {  	v5 =	vld [tilespmem:s7+$0xFFFFFFD0]  }
0xae: {  	v2 =	vld [tilespmem:s7+$0xFFFFFFF0]  }
0xaf: {  	v10 =	vmul.f32 v6, v3;
	v6 =	vld [tilespmem:s7+$0x0]  }
0xb0: {  	v8 =	vmul.f32 v7, v3  }
0xb1: {  	s8 =	simm.s32 $0x1;
	s9 =	simm.s32 $0x1840;
	s6 =	sshll.u32 s2, $0x8;
	v7 =	vmul.f32 v11, v3;
	v9 =	vmul.f32 v9, v3  }
.LBB2_8:
0xb2: {  	p0 =	sne.s32 s8, $0x3F  }
0xb3: {  	v5 =	vmul.f32 v5, v3;
	v4 =	vmul.f32 v4, v3;
	[tilespmem:s7+$0x30] =	vst v10;
	s9 =	sadd.s32 $0x80, s9;
	s10 =	smov.u32 s8;
	s8 =	sadd.s32 $0x1, s8  }
0xb4: {  	[tilespmem:s7+$0xFFFFFFC0] =	vst v8;
	v8 =	vmul.f32 v2, v3;
	v3 =	vmul.f32 v6, v3  }
0xb5: {  	s10 =	sadd.s32 s10, s5;
	[tilespmem:s7+$0x10] =	vst v9  }
0xb6: {  	v6 =	vmov s10;
	[tilespmem:s7+$0xFFFFFFE0] =	vst v7  }
0xb7: {  	v2 =	vld [tilespmem:s9+$0xFFFFFFF0];
	[tilespmem:s7+$0xFFFFFFF0] =	vst v8  }
0xb8: {  	v7 =	vld [tilespmem:s9+$0x30];
	[tilespmem:s7+$0x0] =	vst v3  }
0xb9: {  	v9 =	vld [tilespmem:s9+$0x10];
	[tilespmem:s7+$0x20] =	vst v4  }
0xba: {  	v8 =	vld [tilespmem:s9+$0xFFFFFFC0];
	[tilespmem:s7+$0xFFFFFFD0] =	vst v5;
	s7 =	smov.u32 s9  }
0xbb: {  	v3 =	vld.idx.msk [tilespmem:v6+s28+$0x0], $0xffff  }
0xbc: {  	v11 =	vld [tilespmem:s9+$0xFFFFFFE0]  }
0xbd: {  	v4 =	vld [tilespmem:s9+$0x20]  }
.Ltmp6:
0xbe: {  	v5 =	vld [tilespmem:s9+$0xFFFFFFD0];
	(pc) =	sbr.rel @p0 .LBB2_8-.Ltmp6, $3  }
0xbf: {  	v6 =	vld [tilespmem:s9+$0x0];
	_ =	sdelay $0x1  }
0xc0: {  	v8 =	vmul.f32 v8, v3;
	v10 =	vmul.f32 v7, v3  }
0xc1: {  	v9 =	vmul.f32 v9, v3;
	v7 =	vmul.f32 v11, v3  }
0xc2: {  	[tilespmem:s7+$0x30] =	vst v10  }
0xc3: {  	[tilespmem:s7+$0xFFFFFFC0] =	vst v8  }
0xc4: {  	v2 =	vmul.f32 v2, v3;
	[tilespmem:s7+$0x10] =	vst v9  }
0xc5: {  	v4 =	vmul.f32 v4, v3;
	[tilespmem:s7+$0xFFFFFFE0] =	vst v7  }
0xc6: {  	v6 =	vmul.f32 v6, v3;
	[tilespmem:s7+$0xFFFFFFF0] =	vst v2  }
0xc7: {  	v2 =	vmul.f32 v5, v3;
	[tilespmem:s7+$0x20] =	vst v4  }
0xc8: {  	[tilespmem:s7+$0x0] =	vst v6  }
0xc9: {  	s21 =	sadd.s32 $0x800, s6;
	[tilespmem:s7+$0xFFFFFFD0] =	vst v2  }
0xca: {  	[spmem:s3] =	stream.indirect.scatter.add.f32 [tilespmem:s25], [sflag:$0x5], $0x80, s21, s4, $0x2000b8;
	[tilespmem:$0x1FB80] =	vst v63  }
0xcb: {  	v2 =	vld [tilespmem:s6+$0x800];
	_ =	sdelay $0x7  }
0xcc: {  	[tilespmem:v2+s12+$0x0] =	vst.idx.add.f32.msk $0xffff, v1  }
0xcd: {  	v2 =	vld [tilespmem:s6+$0x810];
	_ =	sdelay $0x7  }
0xce: {  	[tilespmem:v2+s12+$0x0] =	vst.idx.add.f32.msk $0xffff, v1  }
0xcf: {  	v2 =	vld [tilespmem:s6+$0x820];
	_ =	sdelay $0x7  }
0xd0: {  	[tilespmem:v2+s12+$0x0] =	vst.idx.add.f32.msk $0xffff, v1  }
0xd1: {  	v2 =	vld [tilespmem:s6+$0x830];
	_ =	sdelay $0x7  }
0xd2: {  	[tilespmem:v2+s12+$0x0] =	vst.idx.add.f32.msk $0xffff, v1  }
0xd3: {  	p0 =	seq.s32 s2, $0x7;
	s7 =	sshll.u32 s2, $0xA;
	_ =	swait.ge [sflag:s13], $0x2000  }
0xd4: {  	s10 =	simm.s32 @!p0 $0x40;
	s8 =	sshrl.u32 @!p0 s7, $0x2;
	[sflag:s13] =	ssyncset.done $0x0  }
0xd5: {  	s20 =	simm.s32 @!p0 $0x1800;
	s9 =	sadd.s32 @!p0 $0x100, s8;
	[sflag:s13] =	ssyncadd.s32 $0xFFFFE000  }
0xd6: {  	[tilespmem:s20], [sflag:$0x1] =	stream.indirect.gather @!p0 [hbm4b:s1+s10], $0x80, s9, s10, $0x2000b8;
	[tilespmem:$0x1FB80] =	vst v63  }
0xd7: {  	s26 =	sadd.s32 $0x0, s23;
	_ =	swait.ge [sflag:s14], $0x2000  }
0xd8: {  	v2 =	vmov s26;
	[sflag:s14] =	ssyncset.done $0x0  }
0xd9: {  	s9 =	simm.s32 $0x3840;
	[sflag:s14] =	ssyncadd.s32 $0xFFFFE000  }
0xda: {  	v6 =	vld [tilespmem:s9+$0x30]  }
0xdb: {  	v9 =	vld [tilespmem:s9+$0x10]  }
0xdc: {  	v7 =	vld [tilespmem:s9+$0xFFFFFFC0]  }
0xdd: {  	v3 =	vld.idx.msk [tilespmem:v2+s28+$0x0], $0xffff  }
0xde: {  	v11 =	vld [tilespmem:s9+$0xFFFFFFE0]  }
0xdf: {  	v2 =	vld [tilespmem:s9+$0xFFFFFFF0]  }
0xe0: {  	v4 =	vld [tilespmem:s9+$0x20]  }
0xe1: {  	v5 =	vld [tilespmem:s9+$0xFFFFFFD0]  }
0xe2: {  	v10 =	vmul.f32 v6, v3;
	v6 =	vld [tilespmem:s9+$0x0]  }
0xe3: {  	v8 =	vmul.f32 v7, v3  }
0xe4: {  	s21 =	simm.s32 $0x1;
	s10 =	sor.u32 $0x40, s6;
	s20 =	simm.s32 $0x3840;
	v7 =	vmul.f32 v11, v3;
	v9 =	vmul.f32 v9, v3  }
.LBB2_10:
0xe5: {  	p1 =	sne.s32 s21, $0x3F  }
0xe6: {  	v5 =	vmul.f32 v5, v3;
	v4 =	vmul.f32 v4, v3;
	[tilespmem:s9+$0x30] =	vst v10;
	s20 =	sadd.s32 $0x80, s20;
	s26 =	smov.u32 s21;
	s21 =	sadd.s32 $0x1, s21  }
0xe7: {  	[tilespmem:s9+$0xFFFFFFC0] =	vst v8;
	v8 =	vmul.f32 v2, v3;
	v3 =	vmul.f32 v6, v3  }
0xe8: {  	s26 =	sadd.s32 s26, s23;
	[tilespmem:s9+$0x10] =	vst v9  }
0xe9: {  	v6 =	vmov s26;
	[tilespmem:s9+$0xFFFFFFE0] =	vst v7  }
0xea: {  	v2 =	vld [tilespmem:s20+$0xFFFFFFF0];
	[tilespmem:s9+$0xFFFFFFF0] =	vst v8  }
0xeb: {  	v7 =	vld [tilespmem:s20+$0x30];
	[tilespmem:s9+$0x0] =	vst v3  }
0xec: {  	v9 =	vld [tilespmem:s20+$0x10];
	[tilespmem:s9+$0x20] =	vst v4  }
0xed: {  	v8 =	vld [tilespmem:s20+$0xFFFFFFC0];
	[tilespmem:s9+$0xFFFFFFD0] =	vst v5;
	s9 =	smov.u32 s20  }
0xee: {  	v3 =	vld.idx.msk [tilespmem:v6+s28+$0x0], $0xffff  }
0xef: {  	v11 =	vld [tilespmem:s20+$0xFFFFFFE0]  }
0xf0: {  	v4 =	vld [tilespmem:s20+$0x20]  }
.Ltmp7:
0xf1: {  	v5 =	vld [tilespmem:s20+$0xFFFFFFD0];
	(pc) =	sbr.rel @p1 .LBB2_10-.Ltmp7, $3  }
0xf2: {  	v6 =	vld [tilespmem:s20+$0x0];
	_ =	sdelay $0x1  }
0xf3: {  	v8 =	vmul.f32 v8, v3;
	v10 =	vmul.f32 v7, v3  }
0xf4: {  	v9 =	vmul.f32 v9, v3;
	v7 =	vmul.f32 v11, v3  }
0xf5: {  	[tilespmem:s9+$0x30] =	vst v10  }
0xf6: {  	[tilespmem:s9+$0xFFFFFFC0] =	vst v8  }
0xf7: {  	v2 =	vmul.f32 v2, v3;
	[tilespmem:s9+$0x10] =	vst v9  }
0xf8: {  	v4 =	vmul.f32 v4, v3;
	[tilespmem:s9+$0xFFFFFFE0] =	vst v7  }
0xf9: {  	v6 =	vmul.f32 v6, v3;
	[tilespmem:s9+$0xFFFFFFF0] =	vst v2  }
0xfa: {  	v2 =	vmul.f32 v5, v3;
	[tilespmem:s9+$0x20] =	vst v4  }
0xfb: {  	[tilespmem:s9+$0x0] =	vst v6  }
0xfc: {  	s21 =	sadd.s32 $0x800, s10;
	[tilespmem:s9+$0xFFFFFFD0] =	vst v2  }
0xfd: {  	[spmem:s3] =	stream.indirect.scatter.add.f32 [tilespmem:s29], [sflag:$0x6], $0x80, s21, s4, $0x2000b8;
	[tilespmem:$0x1FB80] =	vst v63  }
0xfe: {  	v2 =	vld [tilespmem:s6+$0x840];
	_ =	sdelay $0x7  }
0xff: {  	[tilespmem:v2+s12+$0x0] =	vst.idx.add.f32.msk $0xffff, v1  }
0x100: {  	v2 =	vld [tilespmem:s6+$0x850];
	_ =	sdelay $0x7  }
0x101: {  	[tilespmem:v2+s12+$0x0] =	vst.idx.add.f32.msk $0xffff, v1  }
0x102: {  	v2 =	vld [tilespmem:s6+$0x860];
	_ =	sdelay $0x7  }
0x103: {  	[tilespmem:v2+s12+$0x0] =	vst.idx.add.f32.msk $0xffff, v1  }
0x104: {  	v2 =	vld [tilespmem:s6+$0x870];
	_ =	sdelay $0x7  }
0x105: {  	[tilespmem:v2+s12+$0x0] =	vst.idx.add.f32.msk $0xffff, v1  }
0x106: {  	_ =	swait.ge [sflag:s15], $0x2000  }
0x107: {  	s10 =	simm.s32 @!p0 $0x40;
	[sflag:s15] =	ssyncset.done $0x0  }
0x108: {  	s20 =	simm.s32 @!p0 $0x3800;
	s9 =	sadd.s32 @!p0 $0x140, s8;
	[sflag:s15] =	ssyncadd.s32 $0xFFFFE000  }
0x109: {  	[tilespmem:s20], [sflag:$0x2] =	stream.indirect.gather @!p0 [hbm4b:s1+s10], $0x80, s9, s10, $0x2000b8;
	[tilespmem:$0x1FB80] =	vst v63  }
0x10a: {  	s26 =	sadd.s32 $0x0, s24;
	_ =	swait.ge [sflag:s16], $0x2000  }
0x10b: {  	v2 =	vmov s26;
	[sflag:s16] =	ssyncset.done $0x0  }
0x10c: {  	s9 =	simm.s32 $0x5840;
	[sflag:s16] =	ssyncadd.s32 $0xFFFFE000  }
0x10d: {  	v6 =	vld [tilespmem:s9+$0x30]  }
0x10e: {  	v9 =	vld [tilespmem:s9+$0x10]  }
0x10f: {  	v7 =	vld [tilespmem:s9+$0xFFFFFFC0]  }
0x110: {  	v3 =	vld.idx.msk [tilespmem:v2+s28+$0x0], $0xffff  }
0x111: {  	v11 =	vld [tilespmem:s9+$0xFFFFFFE0]  }
0x112: {  	v2 =	vld [tilespmem:s9+$0xFFFFFFF0]  }
0x113: {  	v4 =	vld [tilespmem:s9+$0x20]  }
0x114: {  	v5 =	vld [tilespmem:s9+$0xFFFFFFD0]  }
0x115: {  	v10 =	vmul.f32 v6, v3;
	v6 =	vld [tilespmem:s9+$0x0]  }
0x116: {  	v8 =	vmul.f32 v7, v3  }
0x117: {  	s21 =	simm.s32 $0x1;
	s10 =	sor.u32 $0x80, s6;
	s20 =	simm.s32 $0x5840;
	v7 =	vmul.f32 v11, v3;
	v9 =	vmul.f32 v9, v3  }
.LBB2_12:
0x118: {  	p1 =	sne.s32 s21, $0x3F  }
0x119: {  	v5 =	vmul.f32 v5, v3;
	v4 =	vmul.f32 v4, v3;
	[tilespmem:s9+$0x30] =	vst v10;
	s20 =	sadd.s32 $0x80, s20;
	s26 =	smov.u32 s21;
	s21 =	sadd.s32 $0x1, s21  }
0x11a: {  	[tilespmem:s9+$0xFFFFFFC0] =	vst v8;
	v8 =	vmul.f32 v2, v3;
	v3 =	vmul.f32 v6, v3  }
0x11b: {  	s26 =	sadd.s32 s26, s24;
	[tilespmem:s9+$0x10] =	vst v9  }
0x11c: {  	v6 =	vmov s26;
	[tilespmem:s9+$0xFFFFFFE0] =	vst v7  }
0x11d: {  	v2 =	vld [tilespmem:s20+$0xFFFFFFF0];
	[tilespmem:s9+$0xFFFFFFF0] =	vst v8  }
0x11e: {  	v7 =	vld [tilespmem:s20+$0x30];
	[tilespmem:s9+$0x0] =	vst v3  }
0x11f: {  	v9 =	vld [tilespmem:s20+$0x10];
	[tilespmem:s9+$0x20] =	vst v4  }
0x120: {  	v8 =	vld [tilespmem:s20+$0xFFFFFFC0];
	[tilespmem:s9+$0xFFFFFFD0] =	vst v5;
	s9 =	smov.u32 s20  }
0x121: {  	v3 =	vld.idx.msk [tilespmem:v6+s28+$0x0], $0xffff  }
0x122: {  	v11 =	vld [tilespmem:s20+$0xFFFFFFE0]  }
0x123: {  	v4 =	vld [tilespmem:s20+$0x20]  }
.Ltmp8:
0x124: {  	v5 =	vld [tilespmem:s20+$0xFFFFFFD0];
	(pc) =	sbr.rel @p1 .LBB2_12-.Ltmp8, $3  }
0x125: {  	v6 =	vld [tilespmem:s20+$0x0];
	_ =	sdelay $0x1  }
0x126: {  	v8 =	vmul.f32 v8, v3;
	v10 =	vmul.f32 v7, v3  }
0x127: {  	v9 =	vmul.f32 v9, v3;
	v7 =	vmul.f32 v11, v3  }
0x128: {  	[tilespmem:s9+$0x30] =	vst v10  }
0x129: {  	[tilespmem:s9+$0xFFFFFFC0] =	vst v8  }
0x12a: {  	v2 =	vmul.f32 v2, v3;
	[tilespmem:s9+$0x10] =	vst v9  }
0x12b: {  	v4 =	vmul.f32 v4, v3;
	[tilespmem:s9+$0xFFFFFFE0] =	vst v7  }
0x12c: {  	v6 =	vmul.f32 v6, v3;
	[tilespmem:s9+$0xFFFFFFF0] =	vst v2  }
0x12d: {  	v2 =	vmul.f32 v5, v3;
	[tilespmem:s9+$0x20] =	vst v4  }
0x12e: {  	[tilespmem:s9+$0x0] =	vst v6  }
0x12f: {  	s21 =	sadd.s32 $0x800, s10;
	[tilespmem:s9+$0xFFFFFFD0] =	vst v2  }
0x130: {  	[spmem:s3] =	stream.indirect.scatter.add.f32 [tilespmem:s30], [sflag:$0x7], $0x80, s21, s4, $0x2000b8;
	[tilespmem:$0x1FB80] =	vst v63  }
0x131: {  	v2 =	vld [tilespmem:s10+$0x800];
	_ =	sdelay $0x7  }
0x132: {  	[tilespmem:v2+s12+$0x0] =	vst.idx.add.f32.msk $0xffff, v1  }
0x133: {  	v2 =	vld [tilespmem:s6+$0x890];
	_ =	sdelay $0x7  }
0x134: {  	[tilespmem:v2+s12+$0x0] =	vst.idx.add.f32.msk $0xffff, v1  }
0x135: {  	v2 =	vld [tilespmem:s6+$0x8A0];
	_ =	sdelay $0x7  }
0x136: {  	[tilespmem:v2+s12+$0x0] =	vst.idx.add.f32.msk $0xffff, v1  }
0x137: {  	v2 =	vld [tilespmem:s6+$0x8B0];
	_ =	sdelay $0x7  }
0x138: {  	[tilespmem:v2+s12+$0x0] =	vst.idx.add.f32.msk $0xffff, v1  }
0x139: {  	_ =	swait.ge [sflag:s17], $0x2000  }
0x13a: {  	s8 =	sadd.s32 @!p0 $0x180, s8;
	[sflag:s17] =	ssyncset.done $0x0  }
0x13b: {  	s9 =	simm.s32 @!p0 $0x40;
	s10 =	simm.s32 @!p0 $0x5800;
	[sflag:s17] =	ssyncadd.s32 $0xFFFFE000  }
0x13c: {  	[tilespmem:s10], [sflag:$0x3] =	stream.indirect.gather @!p0 [hbm4b:s1+s9], $0x80, s8, s9, $0x2000b8;
	[tilespmem:$0x1FB80] =	vst v63  }
0x13d: {  	s26 =	sadd.s32 $0x0, s11;
	_ =	swait.ge [sflag:s18], $0x2000  }
0x13e: {  	v2 =	vmov s26;
	[sflag:s18] =	ssyncset.done $0x0  }
0x13f: {  	s8 =	simm.s32 $0x7840;
	[sflag:s18] =	ssyncadd.s32 $0xFFFFE000  }
0x140: {  	v6 =	vld [tilespmem:s8+$0x30]  }
0x141: {  	v9 =	vld [tilespmem:s8+$0x10]  }
0x142: {  	v7 =	vld [tilespmem:s8+$0xFFFFFFC0]  }
0x143: {  	v3 =	vld.idx.msk [tilespmem:v2+s28+$0x0], $0xffff  }
0x144: {  	v11 =	vld [tilespmem:s8+$0xFFFFFFE0]  }
0x145: {  	v2 =	vld [tilespmem:s8+$0xFFFFFFF0]  }
0x146: {  	v4 =	vld [tilespmem:s8+$0x20]  }
0x147: {  	v5 =	vld [tilespmem:s8+$0xFFFFFFD0]  }
0x148: {  	v10 =	vmul.f32 v6, v3;
	v6 =	vld [tilespmem:s8+$0x0]  }
0x149: {  	v8 =	vmul.f32 v7, v3  }
0x14a: {  	s20 =	simm.s32 $0x7840;
	s9 =	sor.u32 $0xC0, s6;
	s10 =	simm.s32 $0x1;
	v7 =	vmul.f32 v11, v3;
	v9 =	vmul.f32 v9, v3  }
.LBB2_14:
0x14b: {  	p1 =	sne.s32 s10, $0x3F  }
0x14c: {  	v5 =	vmul.f32 v5, v3;
	v4 =	vmul.f32 v4, v3;
	[tilespmem:s8+$0x30] =	vst v10;
	s20 =	sadd.s32 $0x80, s20;
	s21 =	smov.u32 s10;
	s10 =	sadd.s32 $0x1, s10  }
0x14d: {  	[tilespmem:s8+$0xFFFFFFC0] =	vst v8;
	v8 =	vmul.f32 v2, v3;
	v3 =	vmul.f32 v6, v3  }
0x14e: {  	s21 =	sadd.s32 s21, s11;
	[tilespmem:s8+$0x10] =	vst v9  }
0x14f: {  	v6 =	vmov s21;
	[tilespmem:s8+$0xFFFFFFE0] =	vst v7  }
0x150: {  	v2 =	vld [tilespmem:s20+$0xFFFFFFF0];
	[tilespmem:s8+$0xFFFFFFF0] =	vst v8  }
0x151: {  	v7 =	vld [tilespmem:s20+$0x30];
	[tilespmem:s8+$0x0] =	vst v3  }
0x152: {  	v9 =	vld [tilespmem:s20+$0x10];
	[tilespmem:s8+$0x20] =	vst v4  }
0x153: {  	v8 =	vld [tilespmem:s20+$0xFFFFFFC0];
	[tilespmem:s8+$0xFFFFFFD0] =	vst v5;
	s8 =	smov.u32 s20  }
0x154: {  	v3 =	vld.idx.msk [tilespmem:v6+s28+$0x0], $0xffff  }
0x155: {  	v11 =	vld [tilespmem:s20+$0xFFFFFFE0]  }
0x156: {  	v4 =	vld [tilespmem:s20+$0x20]  }
.Ltmp9:
0x157: {  	v5 =	vld [tilespmem:s20+$0xFFFFFFD0];
	(pc) =	sbr.rel @p1 .LBB2_14-.Ltmp9, $3  }
0x158: {  	v6 =	vld [tilespmem:s20+$0x0];
	_ =	sdelay $0x1  }
0x159: {  	v8 =	vmul.f32 v8, v3;
	v10 =	vmul.f32 v7, v3  }
0x15a: {  	v9 =	vmul.f32 v9, v3;
	v7 =	vmul.f32 v11, v3  }
0x15b: {  	[tilespmem:s8+$0x30] =	vst v10  }
0x15c: {  	[tilespmem:s8+$0xFFFFFFC0] =	vst v8  }
0x15d: {  	v2 =	vmul.f32 v2, v3;
	[tilespmem:s8+$0x10] =	vst v9  }
0x15e: {  	v4 =	vmul.f32 v4, v3;
	[tilespmem:s8+$0xFFFFFFE0] =	vst v7  }
0x15f: {  	v6 =	vmul.f32 v6, v3;
	[tilespmem:s8+$0xFFFFFFF0] =	vst v2  }
0x160: {  	v2 =	vmul.f32 v5, v3;
	[tilespmem:s8+$0x20] =	vst v4  }
0x161: {  	[tilespmem:s8+$0x0] =	vst v6  }
0x162: {  	s26 =	sadd.s32 $0x800, s9;
	[tilespmem:s8+$0xFFFFFFD0] =	vst v2  }
0x163: {  	[spmem:s3] =	stream.indirect.scatter.add.f32 [tilespmem:s31], [sflag:$0x8], $0x80, s26, s4, $0x2000b8;
	[tilespmem:$0x1FB80] =	vst v63  }
0x164: {  	v2 =	vld [tilespmem:s6+$0x8C0];
	_ =	sdelay $0x7  }
0x165: {  	[tilespmem:v2+s12+$0x0] =	vst.idx.add.f32.msk $0xffff, v1  }
0x166: {  	v2 =	vld [tilespmem:s6+$0x8D0];
	_ =	sdelay $0x7  }
0x167: {  	[tilespmem:v2+s12+$0x0] =	vst.idx.add.f32.msk $0xffff, v1  }
0x168: {  	v2 =	vld [tilespmem:s6+$0x8E0];
	_ =	sdelay $0x7  }
0x169: {  	[tilespmem:v2+s12+$0x0] =	vst.idx.add.f32.msk $0xffff, v1  }
0x16a: {  	v2 =	vld [tilespmem:s6+$0x8F0];
	_ =	sdelay $0x6  }
.Ltmp10:
0x16b: {  	_ = 	snop;
	(pc) =	sbr.rel @p0 .LBB2_17-.Ltmp10, $4  }
0x16c: {  	[tilespmem:v2+s12+$0x0] =	vst.idx.add.f32.msk $0xffff, v1  }
0x16d: {  	_ =	swait.ge [sflag:s19], $0x2000  }
0x16e: {  	[sflag:s19] =	ssyncset.done $0x0  }
0x16f: {  	[sflag:s19] =	ssyncadd.s32 $0xFFFFE000  }
.Ltmp11:
0x170: {  	(pc) =	sbr.rel .LBB2_7-.Ltmp11, $4  }
0x171: {  	s6 =	sshrl.u32 s7, $0x2  }
0x172: {  	s2 =	sadd.s32 $0x1, s2;
	s5 =	sadd.s32 $0x100, s5;
	s23 =	sadd.s32 $0x100, s23  }
0x173: {  	s24 =	sadd.s32 $0x100, s24;
	s11 =	sadd.s32 $0x100, s11;
	s6 =	sadd.s32 $0x1C0, s6  }
0x174: {  	[tilespmem:s31], [sflag:$0x4] =	stream.indirect.gather [hbm4b:s1+s4], $0x80, s6, s4, $0x2000b8;
	[tilespmem:$0x1FB80] =	vst v63  }
.LBB2_19:
0x175: {  	_ =	sfence.sel $0x180000  }
0x176: {  	[bflag:$0x0] =	sbarrier.arrive $0xFFFF  }
0x177: {  	_ =	strace $0x90000047  }
0x178: {  	s0 =	stileid.u32;
	[bflag:$0x2] =	sbarrier.arrive $0xFFFF  }
0x179: {  	p0 =	sne.s32 s0, $0x0;
	s0 =	rddreg [dreg:$0x5]  }
0x17a: {  	s0 =	sadd.s32 @!p0 $0x100000, s0  }
0x17b: {  	[sflag:s0] =	ssyncadd.tile.s32 @!p0 $0x1;
	_ =	shalt  }
.Lfunc_end2:
_tile_overlayer_lowered:
.L_overlay_start_2:
0x17c: {  	(tag) =	ssettag $0x2  }
0x17d: {  	s0 =	rddreg [dreg:$0x0];
	s2 =	stileid.u32  }
0x17e: {  	s1 =	rddreg [dreg:$0x1];
	p0 =	sne.s32 s2, $0x0  }
0x17f: {  	s3 =	rddreg [dreg:$0x2];
	[bflag:$0x3] =	sbarrier.arrive $0xFFFF;
	s2 =	simm.s32 @!p0 $0x1C09  }
0x180: {  	[timem:s3], [sflag:s2] =	dma.local @!p0 [hbm:s0], s1  }
0x181: {  	s0 =	simm.s32 @!p0 $0x9  }
0x182: {  	_ =	swait.ge @!p0 [sflag:s0], s1  }
0x183: {  	s1 =	ssub.s32 @!p0 $0x0, s1;
	[sflag:s0] =	ssyncset.done @!p0 $0x0  }
0x184: {  	[sflag:s0] =	ssyncadd.s32 @!p0 s1  }
0x185: {  	[bflag:$0x3] =	sbarrier.arrive $0xFFFF  }
0x186: {  	_ =	shalt  }

</sc_bundles>
